<compile_context>
chip_gen: v7x
topology: tpu7x:2x2x1
jax: 0.10.2.dev20260603
libtpu: 0.0.44.dev20260713+nightly
codegen_flags: <defaults>
</compile_context>

<pallas_src>
import functools

import jax
import jax.numpy as jnp
from jax import lax
from jax.experimental import pallas as pl
from jax.experimental.pallas import tpu as pltpu
from jax.experimental.pallas import tpu_sc as plsc

N = 10000
E = 320000
D = 128
DP = 144
NC = 2
NS = 16
NW = NC * NS
EPW = E // NW
CHUNK = 80
NCHUNK = EPW // CHUNK
NPAD = 10240
ZROWS = NPAD // NS


def _make_sc_kernel():
    mesh = plsc.VectorSubcoreMesh(core_axis_name="c", subcore_axis_name="s")

    @functools.partial(
        pl.kernel,
        out_type=jax.ShapeDtypeStruct((NC, NPAD, DP), jnp.float32),
        mesh=mesh,
        compiler_params=pltpu.CompilerParams(use_tc_tiling_on_sc=False),
        scratch_types=[
            pltpu.VMEM_SHARED((NPAD, DP), jnp.float32),
            pltpu.VMEM((3, CHUNK), jnp.int32),
            pltpu.VMEM((3, CHUNK), jnp.int32),
            pltpu.VMEM((3, CHUNK, DP), jnp.float32),
            pltpu.SemaphoreType.DMA,
            pltpu.SemaphoreType.DMA,
        ],
    )
    def sc_kernel(xa_hbm, ei_hbm, zero_hbm, out_hbm,
                  acc, idx_s, idx_d, rows, gsem, isem):
        core = lax.axis_index("c")
        sub = lax.axis_index("s")
        wid = core * NS + sub

        pltpu.sync_copy(zero_hbm.at[pl.ds(sub * ZROWS, ZROWS)],
                        acc.at[pl.ds(sub * ZROWS, ZROWS)])
        plsc.subcore_barrier()

        ebase = wid * EPW

        def src_ref(c):
            return ei_hbm.at[0, pl.ds(ebase + c * CHUNK, CHUNK)]

        def dst_ref(c):
            return ei_hbm.at[1, pl.ds(ebase + c * CHUNK, CHUNK)]

        def idx_start(c, b):
            pltpu.async_copy(src_ref(c), idx_s.at[b], isem)
            pltpu.async_copy(dst_ref(c), idx_d.at[b], isem)

        def idx_wait(c, b):
            pltpu.make_async_copy(src_ref(c), idx_s.at[b], isem).wait()
            pltpu.make_async_copy(dst_ref(c), idx_d.at[b], isem).wait()

        def gather(b):
            pltpu.async_copy(xa_hbm.at[idx_s.at[b]], rows.at[b], gsem)

        def gwait(b):
            pltpu.make_async_copy(xa_hbm.at[idx_s.at[b]], rows.at[b],
                                  gsem).wait()

        def scatter(b):
            pltpu.sync_copy(rows.at[b], acc.at[idx_d.at[b]], add=True)

        pltpu.sync_copy(src_ref(0), idx_s.at[0])
        pltpu.sync_copy(dst_ref(0), idx_d.at[0])
        idx_start(1, 1)
        gather(0)
        idx_wait(1, 1)
        gather(1)
        idx_start(2, 2)

        def step(j, b):
            gwait(b)
            nb = (b + 2) % 3
            idx_wait(j + 2, nb)
            gather(nb)
            scatter(b)

        def triple_body(t, carry):
            j = 3 * t
            step(j, 0)
            idx_start(j + 3, 0)
            step(j + 1, 1)
            idx_start(j + 4, 1)
            step(j + 2, 2)

            @pl.when(t < NCHUNK // 3 - 1)
            def _():
                idx_start(j + 5, 2)
            return carry

        lax.fori_loop(0, NCHUNK // 3, triple_body, 0)

        gwait(0)
        scatter(0)
        gwait(1)
        scatter(1)
        plsc.subcore_barrier()

        pltpu.sync_copy(acc.at[pl.ds(sub * ZROWS, ZROWS)],
                        out_hbm.at[core, pl.ds(sub * ZROWS, ZROWS)])

    return sc_kernel


_BN = 1000


def _tc_body(x_ref, p_ref, ws_ref, wn_ref, b_ref, o_ref):
    x = x_ref[...]
    s = p_ref[0] + p_ref[1]
    agg = s[:, :D]
    deg = s[:, D:D + 1]
    a = (agg + x) / (deg + 1.0)
    out = (jnp.dot(x, ws_ref[...], preferred_element_type=jnp.float32)
           + jnp.dot(a, wn_ref[...], preferred_element_type=jnp.float32)
           + b_ref[...])
    o_ref[...] = jnp.where(out >= 0, out, 0.01 * out)


def _tc_call(x, partials, W_self, W_neigh, b2d):
    return pl.pallas_call(
        _tc_body,
        grid=(N // _BN,),
        in_specs=[
            pl.BlockSpec((_BN, D), lambda i: (i, 0)),
            pl.BlockSpec((NC, _BN, DP), lambda i: (0, i, 0)),
            pl.BlockSpec((D, D), lambda i: (0, 0)),
            pl.BlockSpec((D, D), lambda i: (0, 0)),
            pl.BlockSpec((1, D), lambda i: (0, 0)),
        ],
        out_specs=pl.BlockSpec((_BN, D), lambda i: (i, 0)),
        out_shape=jax.ShapeDtypeStruct((N, D), jnp.float32),
    )(x, partials, W_self, W_neigh, b2d)


def kernel(x, edge_index, W_self, W_neigh, b):
    ei = edge_index.astype(jnp.int32)
    xa = jnp.concatenate(
        [x,
         jnp.ones((N, 1), jnp.float32),
         jnp.zeros((N, DP - D - 1), jnp.float32)], axis=1)
    zero = jnp.zeros((NPAD, DP), jnp.float32)
    partials = _make_sc_kernel()(xa, ei, zero)
    return _tc_call(x, partials, W_self, W_neigh, b.reshape(1, D))

# --- scband reference (transcript-rebuilt; emitter-appended) ---
"""Pipeline reference for scband-zero-shot-module-60928406061848 (READ-ONLY COPY).

The authoritative reference and input builder live on the scoring server;
editing this copy changes nothing except your own understanding.
"""

import jax, jax.numpy as jnp
import numpy as np

N = 10000
E = 320000
D = 128

def setup_inputs(seed: int = 0) -> dict:
    key = jax.random.key(seed)
    k1, k2, k3, k4 = jax.random.split(key, 4)
    x = jax.random.normal(k1, (N, D), dtype=jnp.float32)
    edge_index = jax.random.randint(k2, (2, E), 0, N).astype(jnp.int64)
    W_self = jax.random.normal(k3, (D, D), dtype=jnp.float32) * 0.02
    W_neigh = jax.random.normal(k4, (D, D), dtype=jnp.float32) * 0.02
    b = jnp.zeros((D,), dtype=jnp.float32)
    return {"x": x, "edge_index": edge_index, "W_self": W_self, "W_neigh": W_neigh, "b": b}

def reference(x, edge_index, W_self, W_neigh, b):
    # message passing with mean aggregation + self loop, matching the
    # sample-and-aggregate style GNN layer (leaky_relu=True, agg_self_loop=True)
    src = edge_index[0]
    dst = edge_index[1]
    msgs = jnp.take(x, src, axis=0)                                  # gather  [E, D]
    agg = jax.ops.segment_sum(msgs, dst, num_segments=x.shape[0])    # scatter-add [N, D]
    ones = jnp.ones((edge_index.shape[1],), dtype=x.dtype)
    deg = jax.ops.segment_sum(ones, dst, num_segments=x.shape[0])
    # agg_self_loop: include the node's own features in the mean
    agg = (agg + x) / jnp.clip(deg + 1.0, 1.0)[:, None]
    out = x @ W_self + agg @ W_neigh + b
    return jax.nn.leaky_relu(out, negative_slope=0.01)

if __name__ == "__main__":
    import jax
    _d = setup_inputs()
    print(jax.jit(kernel)(*tuple(_d.values())))

</pallas_src>

<mosaic_0001>
#map = affine_map<(d0, d1) -> (0, 0)>
#map1 = affine_map<(d0, d1) -> (0, 0, 0)>
module attributes {stable_mosaic.version = 14 : i64} {
  func.func @sc_kernel(%arg0: i32, %arg1: i32, %arg2: memref<10000x144xf32, #tpu.memory_space<hbm>>, %arg3: memref<2x320000xi32, #tpu.memory_space<hbm>>, %arg4: memref<10240x144xf32, #tpu.memory_space<hbm>>, %arg5: memref<2x10240x144xf32, #tpu.memory_space<hbm>>, %arg6: memref<10240x144xf32, #tpu.memory_space<vmem_shared>>, %arg7: memref<3x80xi32, #tpu.memory_space<vmem>>, %arg8: memref<3x80xi32, #tpu.memory_space<vmem>>, %arg9: memref<3x80x144xf32, #tpu.memory_space<vmem>>, %arg10: memref<!tpu.dma_semaphore, #tpu.memory_space<semaphore_mem>>, %arg11: memref<!tpu.dma_semaphore, #tpu.memory_space<semaphore_mem>>) attributes {dimension_semantics = [#tpu.dimension_semantics<core_parallel>, #tpu.dimension_semantics<subcore_parallel>], iteration_bounds = array<i64: 2, 16>, scalar_prefetch = 0 : i64, scratch_operands = 6 : i64, tpu.core_type = #tpu.core_type<sc_vector_subcore>, window_params = [{transform_indices = #map}, {transform_indices = #map}, {transform_indices = #map}, {transform_indices = #map1}]} {
    %mul3A = arith.constant 16 : i32
    %mul3A_0 = arith.muli %arg0, %mul3A : i32
    %add3A = arith.addi %mul3A_0, %arg1 : i32
    %mul3A_1 = arith.constant 640 : i32
    %mul3A_2 = arith.muli %arg1, %mul3A_1 : i32
    %mul3A_3 = arith.constant 640 : i32
    %mul3A_4 = arith.muli %arg1, %mul3A_3 : i32
    "tpu.region"() ({
      %run_scoped3A_158 = tpu.sem_alloc : memref<!tpu.dma_semaphore, #tpu.memory_space<semaphore_mem>>
      %dma_start3A_159 = arith.constant 0 : i32
      %dma_start3A_160 = tpu.memref_slice %arg6[%mul3A_4, %dma_start3A_159] : memref<10240x144xf32, #tpu.memory_space<vmem_shared>> -> memref<640x144xf32, #tpu.memory_space<vmem_shared>>
      %dma_start3A_161 = arith.constant 0 : i32
      %dma_start3A_162 = tpu.memref_slice %arg4[%mul3A_2, %dma_start3A_161] : memref<10240x144xf32, #tpu.memory_space<hbm>> -> memref<640x144xf32, #tpu.memory_space<hbm>>
      tpu.enqueue_dma source(%dma_start3A_162 : memref<640x144xf32, #tpu.memory_space<hbm>>) target(%dma_start3A_160 : memref<640x144xf32, #tpu.memory_space<vmem_shared>>) target_semaphore(%run_scoped3A_158 : memref<!tpu.dma_semaphore, #tpu.memory_space<semaphore_mem>>)
      %dma_wait3A_163 = arith.constant 0 : i32
      %dma_wait3A_164 = tpu.memref_slice %arg6[%mul3A_4, %dma_wait3A_163] : memref<10240x144xf32, #tpu.memory_space<vmem_shared>> -> memref<640x144xf32, #tpu.memory_space<vmem_shared>>
      %dma_wait3A_165 = arith.constant 0 : i32
      %dma_wait3A_166 = tpu.memref_slice %arg4[%mul3A_2, %dma_wait3A_165] : memref<10240x144xf32, #tpu.memory_space<hbm>> -> memref<640x144xf32, #tpu.memory_space<hbm>>
      tpu.wait_dma2 semaphore(%run_scoped3A_158 : memref<!tpu.dma_semaphore, #tpu.memory_space<semaphore_mem>>) src(%dma_wait3A_166 : memref<640x144xf32, #tpu.memory_space<hbm>>) dst(%dma_wait3A_164 : memref<640x144xf32, #tpu.memory_space<vmem_shared>>)
      tpu.yield
    }) : () -> ()
    %barrier3A = arith.constant 0 : index
    tpu.barrier barrier_id(%barrier3A)
    %mul3A_5 = arith.constant 10000 : i32
    %mul3A_6 = arith.muli %add3A, %mul3A_5 : i32
    %add3A_7 = arith.constant 0 : i32
    %add3A_8 = arith.addi %mul3A_6, %add3A_7 : i32
    %run_scoped3A = arith.constant 0 : i32
    %run_scoped3A_9 = arith.constant 0 : i32
    "tpu.region"() ({
      %run_scoped3A_158 = tpu.sem_alloc : memref<!tpu.dma_semaphore, #tpu.memory_space<semaphore_mem>>
      %dma_start3A_159 = arith.constant 0 : i32
      %dma_start3A_160 = tpu.memref_slice %arg7[%run_scoped3A_9, %dma_start3A_159] : memref<3x80xi32, #tpu.memory_space<vmem>> -> memref<1x80xi32, #tpu.memory_space<vmem>>
      %dma_start3A_161 = tpu.memref_squeeze %dma_start3A_160 : memref<1x80xi32, #tpu.memory_space<vmem>> -> memref<80xi32, #tpu.memory_space<vmem>>
      %dma_start3A_162 = tpu.memref_slice %arg3[%run_scoped3A, %add3A_8] : memref<2x320000xi32, #tpu.memory_space<hbm>> -> memref<1x80xi32, #tpu.memory_space<hbm>>
      %dma_start3A_163 = tpu.memref_squeeze %dma_start3A_162 : memref<1x80xi32, #tpu.memory_space<hbm>> -> memref<80xi32, #tpu.memory_space<hbm>>
      %dma_start3A_164 = arith.constant 0 : i32
      %dma_start3A_165 = tpu.memref_slice %arg7[%run_scoped3A_9, %dma_start3A_164] : memref<3x80xi32, #tpu.memory_space<vmem>> -> memref<1x80xi32, #tpu.memory_space<vmem>>
      %dma_start3A_166 = tpu.memref_squeeze %dma_start3A_165 : memref<1x80xi32, #tpu.memory_space<vmem>> -> memref<80xi32, #tpu.memory_space<vmem>>
      %dma_start3A_167 = tpu.memref_slice %arg3[%run_scoped3A, %add3A_8] : memref<2x320000xi32, #tpu.memory_space<hbm>> -> memref<1x80xi32, #tpu.memory_space<hbm>>
      %dma_start3A_168 = tpu.memref_squeeze %dma_start3A_167 : memref<1x80xi32, #tpu.memory_space<hbm>> -> memref<80xi32, #tpu.memory_space<hbm>>
      tpu.enqueue_dma source(%dma_start3A_168 : memref<80xi32, #tpu.memory_space<hbm>>) target(%dma_start3A_166 : memref<80xi32, #tpu.memory_space<vmem>>) target_semaphore(%run_scoped3A_158 : memref<!tpu.dma_semaphore, #tpu.memory_space<semaphore_mem>>)
      %dma_wait3A_169 = arith.constant 0 : i32
      %dma_wait3A_170 = tpu.memref_slice %arg7[%run_scoped3A_9, %dma_wait3A_169] : memref<3x80xi32, #tpu.memory_space<vmem>> -> memref<1x80xi32, #tpu.memory_space<vmem>>
      %dma_wait3A_171 = tpu.memref_squeeze %dma_wait3A_170 : memref<1x80xi32, #tpu.memory_space<vmem>> -> memref<80xi32, #tpu.memory_space<vmem>>
      %dma_wait3A_172 = tpu.memref_slice %arg3[%run_scoped3A, %add3A_8] : memref<2x320000xi32, #tpu.memory_space<hbm>> -> memref<1x80xi32, #tpu.memory_space<hbm>>
      %dma_wait3A_173 = tpu.memref_squeeze %dma_wait3A_172 : memref<1x80xi32, #tpu.memory_space<hbm>> -> memref<80xi32, #tpu.memory_space<hbm>>
      %dma_wait3A_174 = arith.constant 0 : i32
      %dma_wait3A_175 = tpu.memref_slice %arg7[%run_scoped3A_9, %dma_wait3A_174] : memref<3x80xi32, #tpu.memory_space<vmem>> -> memref<1x80xi32, #tpu.memory_space<vmem>>
      %dma_wait3A_176 = tpu.memref_squeeze %dma_wait3A_175 : memref<1x80xi32, #tpu.memory_space<vmem>> -> memref<80xi32, #tpu.memory_space<vmem>>
      %dma_wait3A_177 = tpu.memref_slice %arg3[%run_scoped3A, %add3A_8] : memref<2x320000xi32, #tpu.memory_space<hbm>> -> memref<1x80xi32, #tpu.memory_space<hbm>>
      %dma_wait3A_178 = tpu.memref_squeeze %dma_wait3A_177 : memref<1x80xi32, #tpu.memory_space<hbm>> -> memref<80xi32, #tpu.memory_space<hbm>>
      tpu.wait_dma2 semaphore(%run_scoped3A_158 : memref<!tpu.dma_semaphore, #tpu.memory_space<semaphore_mem>>) src(%dma_wait3A_178 : memref<80xi32, #tpu.memory_space<hbm>>) dst(%dma_wait3A_176 : memref<80xi32, #tpu.memory_space<vmem>>)
      tpu.yield
    }) : () -> ()
    %add3A_10 = arith.constant 0 : i32
    %add3A_11 = arith.addi %mul3A_6, %add3A_10 : i32
    %run_scoped3A_12 = arith.constant 1 : i32
    %run_scoped3A_13 = arith.constant 0 : i32
    "tpu.region"() ({
      %run_scoped3A_158 = tpu.sem_alloc : memref<!tpu.dma_semaphore, #tpu.memory_space<semaphore_mem>>
      %dma_start3A_159 = arith.constant 0 : i32
      %dma_start3A_160 = tpu.memref_slice %arg8[%run_scoped3A_13, %dma_start3A_159] : memref<3x80xi32, #tpu.memory_space<vmem>> -> memref<1x80xi32, #tpu.memory_space<vmem>>
      %dma_start3A_161 = tpu.memref_squeeze %dma_start3A_160 : memref<1x80xi32, #tpu.memory_space<vmem>> -> memref<80xi32, #tpu.memory_space<vmem>>
      %dma_start3A_162 = tpu.memref_slice %arg3[%run_scoped3A_12, %add3A_11] : memref<2x320000xi32, #tpu.memory_space<hbm>> -> memref<1x80xi32, #tpu.memory_space<hbm>>
      %dma_start3A_163 = tpu.memref_squeeze %dma_start3A_162 : memref<1x80xi32, #tpu.memory_space<hbm>> -> memref<80xi32, #tpu.memory_space<hbm>>
      %dma_start3A_164 = arith.constant 0 : i32
      %dma_start3A_165 = tpu.memref_slice %arg8[%run_scoped3A_13, %dma_start3A_164] : memref<3x80xi32, #tpu.memory_space<vmem>> -> memref<1x80xi32, #tpu.memory_space<vmem>>
      %dma_start3A_166 = tpu.memref_squeeze %dma_start3A_165 : memref<1x80xi32, #tpu.memory_space<vmem>> -> memref<80xi32, #tpu.memory_space<vmem>>
      %dma_start3A_167 = tpu.memref_slice %arg3[%run_scoped3A_12, %add3A_11] : memref<2x320000xi32, #tpu.memory_space<hbm>> -> memref<1x80xi32, #tpu.memory_space<hbm>>
      %dma_start3A_168 = tpu.memref_squeeze %dma_start3A_167 : memref<1x80xi32, #tpu.memory_space<hbm>> -> memref<80xi32, #tpu.memory_space<hbm>>
      tpu.enqueue_dma source(%dma_start3A_168 : memref<80xi32, #tpu.memory_space<hbm>>) target(%dma_start3A_166 : memref<80xi32, #tpu.memory_space<vmem>>) target_semaphore(%run_scoped3A_158 : memref<!tpu.dma_semaphore, #tpu.memory_space<semaphore_mem>>)
      %dma_wait3A_169 = arith.constant 0 : i32
      %dma_wait3A_170 = tpu.memref_slice %arg8[%run_scoped3A_13, %dma_wait3A_169] : memref<3x80xi32, #tpu.memory_space<vmem>> -> memref<1x80xi32, #tpu.memory_space<vmem>>
      %dma_wait3A_171 = tpu.memref_squeeze %dma_wait3A_170 : memref<1x80xi32, #tpu.memory_space<vmem>> -> memref<80xi32, #tpu.memory_space<vmem>>
      %dma_wait3A_172 = tpu.memref_slice %arg3[%run_scoped3A_12, %add3A_11] : memref<2x320000xi32, #tpu.memory_space<hbm>> -> memref<1x80xi32, #tpu.memory_space<hbm>>
      %dma_wait3A_173 = tpu.memref_squeeze %dma_wait3A_172 : memref<1x80xi32, #tpu.memory_space<hbm>> -> memref<80xi32, #tpu.memory_space<hbm>>
      %dma_wait3A_174 = arith.constant 0 : i32
      %dma_wait3A_175 = tpu.memref_slice %arg8[%run_scoped3A_13, %dma_wait3A_174] : memref<3x80xi32, #tpu.memory_space<vmem>> -> memref<1x80xi32, #tpu.memory_space<vmem>>
      %dma_wait3A_176 = tpu.memref_squeeze %dma_wait3A_175 : memref<1x80xi32, #tpu.memory_space<vmem>> -> memref<80xi32, #tpu.memory_space<vmem>>
      %dma_wait3A_177 = tpu.memref_slice %arg3[%run_scoped3A_12, %add3A_11] : memref<2x320000xi32, #tpu.memory_space<hbm>> -> memref<1x80xi32, #tpu.memory_space<hbm>>
      %dma_wait3A_178 = tpu.memref_squeeze %dma_wait3A_177 : memref<1x80xi32, #tpu.memory_space<hbm>> -> memref<80xi32, #tpu.memory_space<hbm>>
      tpu.wait_dma2 semaphore(%run_scoped3A_158 : memref<!tpu.dma_semaphore, #tpu.memory_space<semaphore_mem>>) src(%dma_wait3A_178 : memref<80xi32, #tpu.memory_space<hbm>>) dst(%dma_wait3A_176 : memref<80xi32, #tpu.memory_space<vmem>>)
      tpu.yield
    }) : () -> ()
    %add3A_14 = arith.constant 80 : i32
    %add3A_15 = arith.addi %mul3A_6, %add3A_14 : i32
    %dma_start3A = arith.constant 0 : i32
    %dma_start3A_16 = arith.constant 1 : i32
    %dma_start3A_17 = arith.constant 0 : i32
    %dma_start3A_18 = tpu.memref_slice %arg7[%dma_start3A_16, %dma_start3A_17] : memref<3x80xi32, #tpu.memory_space<vmem>> -> memref<1x80xi32, #tpu.memory_space<vmem>>
    %dma_start3A_19 = tpu.memref_squeeze %dma_start3A_18 : memref<1x80xi32, #tpu.memory_space<vmem>> -> memref<80xi32, #tpu.memory_space<vmem>>
    %dma_start3A_20 = tpu.memref_slice %arg3[%dma_start3A, %add3A_15] : memref<2x320000xi32, #tpu.memory_space<hbm>> -> memref<1x80xi32, #tpu.memory_space<hbm>>
    %dma_start3A_21 = tpu.memref_squeeze %dma_start3A_20 : memref<1x80xi32, #tpu.memory_space<hbm>> -> memref<80xi32, #tpu.memory_space<hbm>>
    %dma_start3A_22 = arith.constant 0 : i32
    %dma_start3A_23 = tpu.memref_slice %arg7[%dma_start3A_16, %dma_start3A_22] : memref<3x80xi32, #tpu.memory_space<vmem>> -> memref<1x80xi32, #tpu.memory_space<vmem>>
    %dma_start3A_24 = tpu.memref_squeeze %dma_start3A_23 : memref<1x80xi32, #tpu.memory_space<vmem>> -> memref<80xi32, #tpu.memory_space<vmem>>
    %dma_start3A_25 = tpu.memref_slice %arg3[%dma_start3A, %add3A_15] : memref<2x320000xi32, #tpu.memory_space<hbm>> -> memref<1x80xi32, #tpu.memory_space<hbm>>
    %dma_start3A_26 = tpu.memref_squeeze %dma_start3A_25 : memref<1x80xi32, #tpu.memory_space<hbm>> -> memref<80xi32, #tpu.memory_space<hbm>>
    tpu.enqueue_dma source(%dma_start3A_26 : memref<80xi32, #tpu.memory_space<hbm>>) target(%dma_start3A_24 : memref<80xi32, #tpu.memory_space<vmem>>) target_semaphore(%arg11 : memref<!tpu.dma_semaphore, #tpu.memory_space<semaphore_mem>>)
    %add3A_27 = arith.constant 80 : i32
    %add3A_28 = arith.addi %mul3A_6, %add3A_27 : i32
    %dma_start3A_29 = arith.constant 1 : i32
    %dma_start3A_30 = arith.constant 1 : i32
    %dma_start3A_31 = arith.constant 0 : i32
    %dma_start3A_32 = tpu.memref_slice %arg8[%dma_start3A_30, %dma_start3A_31] : memref<3x80xi32, #tpu.memory_space<vmem>> -> memref<1x80xi32, #tpu.memory_space<vmem>>
    %dma_start3A_33 = tpu.memref_squeeze %dma_start3A_32 : memref<1x80xi32, #tpu.memory_space<vmem>> -> memref<80xi32, #tpu.memory_space<vmem>>
    %dma_start3A_34 = tpu.memref_slice %arg3[%dma_start3A_29, %add3A_28] : memref<2x320000xi32, #tpu.memory_space<hbm>> -> memref<1x80xi32, #tpu.memory_space<hbm>>
    %dma_start3A_35 = tpu.memref_squeeze %dma_start3A_34 : memref<1x80xi32, #tpu.memory_space<hbm>> -> memref<80xi32, #tpu.memory_space<hbm>>
    %dma_start3A_36 = arith.constant 0 : i32
    %dma_start3A_37 = tpu.memref_slice %arg8[%dma_start3A_30, %dma_start3A_36] : memref<3x80xi32, #tpu.memory_space<vmem>> -> memref<1x80xi32, #tpu.memory_space<vmem>>
    %dma_start3A_38 = tpu.memref_squeeze %dma_start3A_37 : memref<1x80xi32, #tpu.memory_space<vmem>> -> memref<80xi32, #tpu.memory_space<vmem>>
    %dma_start3A_39 = tpu.memref_slice %arg3[%dma_start3A_29, %add3A_28] : memref<2x320000xi32, #tpu.memory_space<hbm>> -> memref<1x80xi32, #tpu.memory_space<hbm>>
    %dma_start3A_40 = tpu.memref_squeeze %dma_start3A_39 : memref<1x80xi32, #tpu.memory_space<hbm>> -> memref<80xi32, #tpu.memory_space<hbm>>
    tpu.enqueue_dma source(%dma_start3A_40 : memref<80xi32, #tpu.memory_space<hbm>>) target(%dma_start3A_38 : memref<80xi32, #tpu.memory_space<vmem>>) target_semaphore(%arg11 : memref<!tpu.dma_semaphore, #tpu.memory_space<semaphore_mem>>)
    %dma_start3A_41 = arith.constant 0 : i32
    %dma_start3A_42 = arith.constant 0 : i32
    %dma_start3A_43 = arith.constant 0 : i32
    %dma_start3A_44 = arith.constant 0 : i32
    %dma_start3A_45 = tpu.memref_slice %arg9[%dma_start3A_42, %dma_start3A_43, %dma_start3A_44] : memref<3x80x144xf32, #tpu.memory_space<vmem>> -> memref<1x80x144xf32, #tpu.memory_space<vmem>>
    %dma_start3A_46 = tpu.memref_squeeze %dma_start3A_45 : memref<1x80x144xf32, #tpu.memory_space<vmem>> -> memref<80x144xf32, #tpu.memory_space<vmem>>
    %dma_start3A_47 = arith.constant 0 : i32
    %dma_start3A_48 = tpu.memref_slice %arg7[%dma_start3A_41, %dma_start3A_47] : memref<3x80xi32, #tpu.memory_space<vmem>> -> memref<1x80xi32, #tpu.memory_space<vmem>>
    %dma_start3A_49 = tpu.memref_squeeze %dma_start3A_48 : memref<1x80xi32, #tpu.memory_space<vmem>> -> memref<80xi32, #tpu.memory_space<vmem>>
    %dma_start3A_50 = arith.constant 0 : i32
    %dma_start3A_51 = arith.constant 0 : i32
    %dma_start3A_52 = tpu.memref_slice %arg2[%dma_start3A_50, %dma_start3A_51] : memref<10000x144xf32, #tpu.memory_space<hbm>> -> memref<10000x144xf32, #tpu.memory_space<hbm>>
    tpu.enqueue_indirect_dma source(%dma_start3A_52 : memref<10000x144xf32, #tpu.memory_space<hbm>>) target(%dma_start3A_46 : memref<80x144xf32, #tpu.memory_space<vmem>>) offsets(%dma_start3A_49 : memref<80xi32, #tpu.memory_space<vmem>>) semaphore(%arg10 : memref<!tpu.dma_semaphore, #tpu.memory_space<semaphore_mem>>)
    %add3A_53 = arith.constant 80 : i32
    %add3A_54 = arith.addi %mul3A_6, %add3A_53 : i32
    %dma_wait3A = arith.constant 0 : i32
    %dma_wait3A_55 = arith.constant 1 : i32
    %dma_wait3A_56 = arith.constant 0 : i32
    %dma_wait3A_57 = tpu.memref_slice %arg7[%dma_wait3A_55, %dma_wait3A_56] : memref<3x80xi32, #tpu.memory_space<vmem>> -> memref<1x80xi32, #tpu.memory_space<vmem>>
    %dma_wait3A_58 = tpu.memref_squeeze %dma_wait3A_57 : memref<1x80xi32, #tpu.memory_space<vmem>> -> memref<80xi32, #tpu.memory_space<vmem>>
    %dma_wait3A_59 = tpu.memref_slice %arg3[%dma_wait3A, %add3A_54] : memref<2x320000xi32, #tpu.memory_space<hbm>> -> memref<1x80xi32, #tpu.memory_space<hbm>>
    %dma_wait3A_60 = tpu.memref_squeeze %dma_wait3A_59 : memref<1x80xi32, #tpu.memory_space<hbm>> -> memref<80xi32, #tpu.memory_space<hbm>>
    %dma_wait3A_61 = arith.constant 0 : i32
    %dma_wait3A_62 = tpu.memref_slice %arg7[%dma_wait3A_55, %dma_wait3A_61] : memref<3x80xi32, #tpu.memory_space<vmem>> -> memref<1x80xi32, #tpu.memory_space<vmem>>
    %dma_wait3A_63 = tpu.memref_squeeze %dma_wait3A_62 : memref<1x80xi32, #tpu.memory_space<vmem>> -> memref<80xi32, #tpu.memory_space<vmem>>
    %dma_wait3A_64 = tpu.memref_slice %arg3[%dma_wait3A, %add3A_54] : memref<2x320000xi32, #tpu.memory_space<hbm>> -> memref<1x80xi32, #tpu.memory_space<hbm>>
    %dma_wait3A_65 = tpu.memref_squeeze %dma_wait3A_64 : memref<1x80xi32, #tpu.memory_space<hbm>> -> memref<80xi32, #tpu.memory_space<hbm>>
    tpu.wait_dma2 semaphore(%arg11 : memref<!tpu.dma_semaphore, #tpu.memory_space<semaphore_mem>>) src(%dma_wait3A_65 : memref<80xi32, #tpu.memory_space<hbm>>) dst(%dma_wait3A_63 : memref<80xi32, #tpu.memory_space<vmem>>)
    %add3A_66 = arith.constant 80 : i32
    %add3A_67 = arith.addi %mul3A_6, %add3A_66 : i32
    %dma_wait3A_68 = arith.constant 1 : i32
    %dma_wait3A_69 = arith.constant 1 : i32
    %dma_wait3A_70 = arith.constant 0 : i32
    %dma_wait3A_71 = tpu.memref_slice %arg8[%dma_wait3A_69, %dma_wait3A_70] : memref<3x80xi32, #tpu.memory_space<vmem>> -> memref<1x80xi32, #tpu.memory_space<vmem>>
    %dma_wait3A_72 = tpu.memref_squeeze %dma_wait3A_71 : memref<1x80xi32, #tpu.memory_space<vmem>> -> memref<80xi32, #tpu.memory_space<vmem>>
    %dma_wait3A_73 = tpu.memref_slice %arg3[%dma_wait3A_68, %add3A_67] : memref<2x320000xi32, #tpu.memory_space<hbm>> -> memref<1x80xi32, #tpu.memory_space<hbm>>
    %dma_wait3A_74 = tpu.memref_squeeze %dma_wait3A_73 : memref<1x80xi32, #tpu.memory_space<hbm>> -> memref<80xi32, #tpu.memory_space<hbm>>
    %dma_wait3A_75 = arith.constant 0 : i32
    %dma_wait3A_76 = tpu.memref_slice %arg8[%dma_wait3A_69, %dma_wait3A_75] : memref<3x80xi32, #tpu.memory_space<vmem>> -> memref<1x80xi32, #tpu.memory_space<vmem>>
    %dma_wait3A_77 = tpu.memref_squeeze %dma_wait3A_76 : memref<1x80xi32, #tpu.memory_space<vmem>> -> memref<80xi32, #tpu.memory_space<vmem>>
    %dma_wait3A_78 = tpu.memref_slice %arg3[%dma_wait3A_68, %add3A_67] : memref<2x320000xi32, #tpu.memory_space<hbm>> -> memref<1x80xi32, #tpu.memory_space<hbm>>
    %dma_wait3A_79 = tpu.memref_squeeze %dma_wait3A_78 : memref<1x80xi32, #tpu.memory_space<hbm>> -> memref<80xi32, #tpu.memory_space<hbm>>
    tpu.wait_dma2 semaphore(%arg11 : memref<!tpu.dma_semaphore, #tpu.memory_space<semaphore_mem>>) src(%dma_wait3A_79 : memref<80xi32, #tpu.memory_space<hbm>>) dst(%dma_wait3A_77 : memref<80xi32, #tpu.memory_space<vmem>>)
    %dma_start3A_80 = arith.constant 1 : i32
    %dma_start3A_81 = arith.constant 1 : i32
    %dma_start3A_82 = arith.constant 0 : i32
    %dma_start3A_83 = arith.constant 0 : i32
    %dma_start3A_84 = tpu.memref_slice %arg9[%dma_start3A_81, %dma_start3A_82, %dma_start3A_83] : memref<3x80x144xf32, #tpu.memory_space<vmem>> -> memref<1x80x144xf32, #tpu.memory_space<vmem>>
    %dma_start3A_85 = tpu.memref_squeeze %dma_start3A_84 : memref<1x80x144xf32, #tpu.memory_space<vmem>> -> memref<80x144xf32, #tpu.memory_space<vmem>>
    %dma_start3A_86 = arith.constant 0 : i32
    %dma_start3A_87 = tpu.memref_slice %arg7[%dma_start3A_80, %dma_start3A_86] : memref<3x80xi32, #tpu.memory_space<vmem>> -> memref<1x80xi32, #tpu.memory_space<vmem>>
    %dma_start3A_88 = tpu.memref_squeeze %dma_start3A_87 : memref<1x80xi32, #tpu.memory_space<vmem>> -> memref<80xi32, #tpu.memory_space<vmem>>
    %dma_start3A_89 = arith.constant 0 : i32
    %dma_start3A_90 = arith.constant 0 : i32
    %dma_start3A_91 = tpu.memref_slice %arg2[%dma_start3A_89, %dma_start3A_90] : memref<10000x144xf32, #tpu.memory_space<hbm>> -> memref<10000x144xf32, #tpu.memory_space<hbm>>
    tpu.enqueue_indirect_dma source(%dma_start3A_91 : memref<10000x144xf32, #tpu.memory_space<hbm>>) target(%dma_start3A_85 : memref<80x144xf32, #tpu.memory_space<vmem>>) offsets(%dma_start3A_88 : memref<80xi32, #tpu.memory_space<vmem>>) semaphore(%arg10 : memref<!tpu.dma_semaphore, #tpu.memory_space<semaphore_mem>>)
    %add3A_92 = arith.constant 160 : i32
    %add3A_93 = arith.addi %mul3A_6, %add3A_92 : i32
    %dma_start3A_94 = arith.constant 0 : i32
    %dma_start3A_95 = arith.constant 2 : i32
    %dma_start3A_96 = arith.constant 0 : i32
    %dma_start3A_97 = tpu.memref_slice %arg7[%dma_start3A_95, %dma_start3A_96] : memref<3x80xi32, #tpu.memory_space<vmem>> -> memref<1x80xi32, #tpu.memory_space<vmem>>
    %dma_start3A_98 = tpu.memref_squeeze %dma_start3A_97 : memref<1x80xi32, #tpu.memory_space<vmem>> -> memref<80xi32, #tpu.memory_space<vmem>>
    %dma_start3A_99 = tpu.memref_slice %arg3[%dma_start3A_94, %add3A_93] : memref<2x320000xi32, #tpu.memory_space<hbm>> -> memref<1x80xi32, #tpu.memory_space<hbm>>
    %dma_start3A_100 = tpu.memref_squeeze %dma_start3A_99 : memref<1x80xi32, #tpu.memory_space<hbm>> -> memref<80xi32, #tpu.memory_space<hbm>>
    %dma_start3A_101 = arith.constant 0 : i32
    %dma_start3A_102 = tpu.memref_slice %arg7[%dma_start3A_95, %dma_start3A_101] : memref<3x80xi32, #tpu.memory_space<vmem>> -> memref<1x80xi32, #tpu.memory_space<vmem>>
    %dma_start3A_103 = tpu.memref_squeeze %dma_start3A_102 : memref<1x80xi32, #tpu.memory_space<vmem>> -> memref<80xi32, #tpu.memory_space<vmem>>
    %dma_start3A_104 = tpu.memref_slice %arg3[%dma_start3A_94, %add3A_93] : memref<2x320000xi32, #tpu.memory_space<hbm>> -> memref<1x80xi32, #tpu.memory_space<hbm>>
    %dma_start3A_105 = tpu.memref_squeeze %dma_start3A_104 : memref<1x80xi32, #tpu.memory_space<hbm>> -> memref<80xi32, #tpu.memory_space<hbm>>
    tpu.enqueue_dma source(%dma_start3A_105 : memref<80xi32, #tpu.memory_space<hbm>>) target(%dma_start3A_103 : memref<80xi32, #tpu.memory_space<vmem>>) target_semaphore(%arg11 : memref<!tpu.dma_semaphore, #tpu.memory_space<semaphore_mem>>)
    %add3A_106 = arith.constant 160 : i32
    %add3A_107 = arith.addi %mul3A_6, %add3A_106 : i32
    %dma_start3A_108 = arith.constant 1 : i32
    %dma_start3A_109 = arith.constant 2 : i32
    %dma_start3A_110 = arith.constant 0 : i32
    %dma_start3A_111 = tpu.memref_slice %arg8[%dma_start3A_109, %dma_start3A_110] : memref<3x80xi32, #tpu.memory_space<vmem>> -> memref<1x80xi32, #tpu.memory_space<vmem>>
    %dma_start3A_112 = tpu.memref_squeeze %dma_start3A_111 : memref<1x80xi32, #tpu.memory_space<vmem>> -> memref<80xi32, #tpu.memory_space<vmem>>
    %dma_start3A_113 = tpu.memref_slice %arg3[%dma_start3A_108, %add3A_107] : memref<2x320000xi32, #tpu.memory_space<hbm>> -> memref<1x80xi32, #tpu.memory_space<hbm>>
    %dma_start3A_114 = tpu.memref_squeeze %dma_start3A_113 : memref<1x80xi32, #tpu.memory_space<hbm>> -> memref<80xi32, #tpu.memory_space<hbm>>
    %dma_start3A_115 = arith.constant 0 : i32
    %dma_start3A_116 = tpu.memref_slice %arg8[%dma_start3A_109, %dma_start3A_115] : memref<3x80xi32, #tpu.memory_space<vmem>> -> memref<1x80xi32, #tpu.memory_space<vmem>>
    %dma_start3A_117 = tpu.memref_squeeze %dma_start3A_116 : memref<1x80xi32, #tpu.memory_space<vmem>> -> memref<80xi32, #tpu.memory_space<vmem>>
    %dma_start3A_118 = tpu.memref_slice %arg3[%dma_start3A_108, %add3A_107] : memref<2x320000xi32, #tpu.memory_space<hbm>> -> memref<1x80xi32, #tpu.memory_space<hbm>>
    %dma_start3A_119 = tpu.memref_squeeze %dma_start3A_118 : memref<1x80xi32, #tpu.memory_space<hbm>> -> memref<80xi32, #tpu.memory_space<hbm>>
    tpu.enqueue_dma source(%dma_start3A_119 : memref<80xi32, #tpu.memory_space<hbm>>) target(%dma_start3A_117 : memref<80xi32, #tpu.memory_space<vmem>>) target_semaphore(%arg11 : memref<!tpu.dma_semaphore, #tpu.memory_space<semaphore_mem>>)
    %scan3A = arith.constant 0 : i32
    %scan3A_120 = arith.constant 0 : i32
    %scan3A_121 = arith.constant 41 : i32
    %scan3A_122 = arith.addi %scan3A_120, %scan3A_121 : i32
    %scan3A_123 = arith.constant 1 : i32
    scf.for %scan3A_158 = %scan3A_120 to %scan3A_122 step %scan3A_123  : i32 {
      %mul3A_159 = arith.constant 3 : i32
      %mul3A_160 = arith.muli %mul3A_159, %scan3A_158 : i32
      %dma_wait3A_161 = arith.constant 0 : i32
      %dma_wait3A_162 = arith.constant 0 : i32
      %dma_wait3A_163 = arith.constant 0 : i32
      %dma_wait3A_164 = arith.constant 0 : i32
      %dma_wait3A_165 = tpu.memref_slice %arg9[%dma_wait3A_162, %dma_wait3A_163, %dma_wait3A_164] : memref<3x80x144xf32, #tpu.memory_space<vmem>> -> memref<1x80x144xf32, #tpu.memory_space<vmem>>
      %dma_wait3A_166 = tpu.memref_squeeze %dma_wait3A_165 : memref<1x80x144xf32, #tpu.memory_space<vmem>> -> memref<80x144xf32, #tpu.memory_space<vmem>>
      %dma_wait3A_167 = arith.constant 0 : i32
      %dma_wait3A_168 = tpu.memref_slice %arg7[%dma_wait3A_161, %dma_wait3A_167] : memref<3x80xi32, #tpu.memory_space<vmem>> -> memref<1x80xi32, #tpu.memory_space<vmem>>
      %dma_wait3A_169 = tpu.memref_squeeze %dma_wait3A_168 : memref<1x80xi32, #tpu.memory_space<vmem>> -> memref<80xi32, #tpu.memory_space<vmem>>
      %dma_wait3A_170 = arith.constant 0 : i32
      %dma_wait3A_171 = arith.constant 0 : i32
      %dma_wait3A_172 = tpu.memref_slice %arg2[%dma_wait3A_170, %dma_wait3A_171] : memref<10000x144xf32, #tpu.memory_space<hbm>> -> memref<10000x144xf32, #tpu.memory_space<hbm>>
      tpu.wait_indirect_dma semaphore(%arg10 : memref<!tpu.dma_semaphore, #tpu.memory_space<semaphore_mem>>) src(%dma_wait3A_172 : memref<10000x144xf32, #tpu.memory_space<hbm>>) dst(%dma_wait3A_166 : memref<80x144xf32, #tpu.memory_space<vmem>>)
      %add3A_173 = arith.constant 2 : i32
      %add3A_174 = arith.addi %mul3A_160, %add3A_173 : i32
      %mul3A_175 = arith.constant 80 : i32
      %mul3A_176 = arith.muli %add3A_174, %mul3A_175 : i32
      %add3A_177 = arith.addi %mul3A_6, %mul3A_176 : i32
      %dma_wait3A_178 = arith.constant 0 : i32
      %dma_wait3A_179 = arith.constant 2 : i32
      %dma_wait3A_180 = arith.constant 0 : i32
      %dma_wait3A_181 = tpu.memref_slice %arg7[%dma_wait3A_179, %dma_wait3A_180] : memref<3x80xi32, #tpu.memory_space<vmem>> -> memref<1x80xi32, #tpu.memory_space<vmem>>
      %dma_wait3A_182 = tpu.memref_squeeze %dma_wait3A_181 : memref<1x80xi32, #tpu.memory_space<vmem>> -> memref<80xi32, #tpu.memory_space<vmem>>
      %dma_wait3A_183 = tpu.memref_slice %arg3[%dma_wait3A_178, %add3A_177] : memref<2x320000xi32, #tpu.memory_space<hbm>> -> memref<1x80xi32, #tpu.memory_space<hbm>>
      %dma_wait3A_184 = tpu.memref_squeeze %dma_wait3A_183 : memref<1x80xi32, #tpu.memory_space<hbm>> -> memref<80xi32, #tpu.memory_space<hbm>>
      %dma_wait3A_185 = arith.constant 0 : i32
      %dma_wait3A_186 = tpu.memref_slice %arg7[%dma_wait3A_179, %dma_wait3A_185] : memref<3x80xi32, #tpu.memory_space<vmem>> -> memref<1x80xi32, #tpu.memory_space<vmem>>
      %dma_wait3A_187 = tpu.memref_squeeze %dma_wait3A_186 : memref<1x80xi32, #tpu.memory_space<vmem>> -> memref<80xi32, #tpu.memory_space<vmem>>
      %dma_wait3A_188 = tpu.memref_slice %arg3[%dma_wait3A_178, %add3A_177] : memref<2x320000xi32, #tpu.memory_space<hbm>> -> memref<1x80xi32, #tpu.memory_space<hbm>>
      %dma_wait3A_189 = tpu.memref_squeeze %dma_wait3A_188 : memref<1x80xi32, #tpu.memory_space<hbm>> -> memref<80xi32, #tpu.memory_space<hbm>>
      tpu.wait_dma2 semaphore(%arg11 : memref<!tpu.dma_semaphore, #tpu.memory_space<semaphore_mem>>) src(%dma_wait3A_189 : memref<80xi32, #tpu.memory_space<hbm>>) dst(%dma_wait3A_187 : memref<80xi32, #tpu.memory_space<vmem>>)
      %mul3A_190 = arith.constant 80 : i32
      %mul3A_191 = arith.muli %add3A_174, %mul3A_190 : i32
      %add3A_192 = arith.addi %mul3A_6, %mul3A_191 : i32
      %dma_wait3A_193 = arith.constant 1 : i32
      %dma_wait3A_194 = arith.constant 2 : i32
      %dma_wait3A_195 = arith.constant 0 : i32
      %dma_wait3A_196 = tpu.memref_slice %arg8[%dma_wait3A_194, %dma_wait3A_195] : memref<3x80xi32, #tpu.memory_space<vmem>> -> memref<1x80xi32, #tpu.memory_space<vmem>>
      %dma_wait3A_197 = tpu.memref_squeeze %dma_wait3A_196 : memref<1x80xi32, #tpu.memory_space<vmem>> -> memref<80xi32, #tpu.memory_space<vmem>>
      %dma_wait3A_198 = tpu.memref_slice %arg3[%dma_wait3A_193, %add3A_192] : memref<2x320000xi32, #tpu.memory_space<hbm>> -> memref<1x80xi32, #tpu.memory_space<hbm>>
      %dma_wait3A_199 = tpu.memref_squeeze %dma_wait3A_198 : memref<1x80xi32, #tpu.memory_space<hbm>> -> memref<80xi32, #tpu.memory_space<hbm>>
      %dma_wait3A_200 = arith.constant 0 : i32
      %dma_wait3A_201 = tpu.memref_slice %arg8[%dma_wait3A_194, %dma_wait3A_200] : memref<3x80xi32, #tpu.memory_space<vmem>> -> memref<1x80xi32, #tpu.memory_space<vmem>>
      %dma_wait3A_202 = tpu.memref_squeeze %dma_wait3A_201 : memref<1x80xi32, #tpu.memory_space<vmem>> -> memref<80xi32, #tpu.memory_space<vmem>>
      %dma_wait3A_203 = tpu.memref_slice %arg3[%dma_wait3A_193, %add3A_192] : memref<2x320000xi32, #tpu.memory_space<hbm>> -> memref<1x80xi32, #tpu.memory_space<hbm>>
      %dma_wait3A_204 = tpu.memref_squeeze %dma_wait3A_203 : memref<1x80xi32, #tpu.memory_space<hbm>> -> memref<80xi32, #tpu.memory_space<hbm>>
      tpu.wait_dma2 semaphore(%arg11 : memref<!tpu.dma_semaphore, #tpu.memory_space<semaphore_mem>>) src(%dma_wait3A_204 : memref<80xi32, #tpu.memory_space<hbm>>) dst(%dma_wait3A_202 : memref<80xi32, #tpu.memory_space<vmem>>)
      %dma_start3A_205 = arith.constant 2 : i32
      %dma_start3A_206 = arith.constant 2 : i32
      %dma_start3A_207 = arith.constant 0 : i32
      %dma_start3A_208 = arith.constant 0 : i32
      %dma_start3A_209 = tpu.memref_slice %arg9[%dma_start3A_206, %dma_start3A_207, %dma_start3A_208] : memref<3x80x144xf32, #tpu.memory_space<vmem>> -> memref<1x80x144xf32, #tpu.memory_space<vmem>>
      %dma_start3A_210 = tpu.memref_squeeze %dma_start3A_209 : memref<1x80x144xf32, #tpu.memory_space<vmem>> -> memref<80x144xf32, #tpu.memory_space<vmem>>
      %dma_start3A_211 = arith.constant 0 : i32
      %dma_start3A_212 = tpu.memref_slice %arg7[%dma_start3A_205, %dma_start3A_211] : memref<3x80xi32, #tpu.memory_space<vmem>> -> memref<1x80xi32, #tpu.memory_space<vmem>>
      %dma_start3A_213 = tpu.memref_squeeze %dma_start3A_212 : memref<1x80xi32, #tpu.memory_space<vmem>> -> memref<80xi32, #tpu.memory_space<vmem>>
      %dma_start3A_214 = arith.constant 0 : i32
      %dma_start3A_215 = arith.constant 0 : i32
      %dma_start3A_216 = tpu.memref_slice %arg2[%dma_start3A_214, %dma_start3A_215] : memref<10000x144xf32, #tpu.memory_space<hbm>> -> memref<10000x144xf32, #tpu.memory_space<hbm>>
      tpu.enqueue_indirect_dma source(%dma_start3A_216 : memref<10000x144xf32, #tpu.memory_space<hbm>>) target(%dma_start3A_210 : memref<80x144xf32, #tpu.memory_space<vmem>>) offsets(%dma_start3A_213 : memref<80xi32, #tpu.memory_space<vmem>>) semaphore(%arg10 : memref<!tpu.dma_semaphore, #tpu.memory_space<semaphore_mem>>)
      %run_scoped3A_217 = arith.constant 0 : i32
      %run_scoped3A_218 = arith.constant 0 : i32
      "tpu.region"() ({
        %run_scoped3A_405 = tpu.sem_alloc : memref<!tpu.dma_semaphore, #tpu.memory_space<semaphore_mem>>
        %dma_start3A_406 = arith.constant 0 : i32
        %dma_start3A_407 = arith.constant 0 : i32
        %dma_start3A_408 = tpu.memref_slice %arg9[%run_scoped3A_217, %dma_start3A_406, %dma_start3A_407] : memref<3x80x144xf32, #tpu.memory_space<vmem>> -> memref<1x80x144xf32, #tpu.memory_space<vmem>>
        %dma_start3A_409 = tpu.memref_squeeze %dma_start3A_408 : memref<1x80x144xf32, #tpu.memory_space<vmem>> -> memref<80x144xf32, #tpu.memory_space<vmem>>
        %dma_start3A_410 = arith.constant 0 : i32
        %dma_start3A_411 = tpu.memref_slice %arg8[%run_scoped3A_218, %dma_start3A_410] : memref<3x80xi32, #tpu.memory_space<vmem>> -> memref<1x80xi32, #tpu.memory_space<vmem>>
        %dma_start3A_412 = tpu.memref_squeeze %dma_start3A_411 : memref<1x80xi32, #tpu.memory_space<vmem>> -> memref<80xi32, #tpu.memory_space<vmem>>
        %dma_start3A_413 = arith.constant 0 : i32
        %dma_start3A_414 = arith.constant 0 : i32
        %dma_start3A_415 = tpu.memref_slice %arg6[%dma_start3A_413, %dma_start3A_414] : memref<10240x144xf32, #tpu.memory_space<vmem_shared>> -> memref<10240x144xf32, #tpu.memory_space<vmem_shared>>
        tpu.enqueue_indirect_dma source(%dma_start3A_409 : memref<80x144xf32, #tpu.memory_space<vmem>>) target(%dma_start3A_415 : memref<10240x144xf32, #tpu.memory_space<vmem_shared>>) offsets(%dma_start3A_412 : memref<80xi32, #tpu.memory_space<vmem>>) semaphore(%run_scoped3A_405 : memref<!tpu.dma_semaphore, #tpu.memory_space<semaphore_mem>>) {add = true}
        %dma_wait3A_416 = arith.constant 0 : i32
        %dma_wait3A_417 = arith.constant 0 : i32
        %dma_wait3A_418 = tpu.memref_slice %arg9[%run_scoped3A_217, %dma_wait3A_416, %dma_wait3A_417] : memref<3x80x144xf32, #tpu.memory_space<vmem>> -> memref<1x80x144xf32, #tpu.memory_space<vmem>>
        %dma_wait3A_419 = tpu.memref_squeeze %dma_wait3A_418 : memref<1x80x144xf32, #tpu.memory_space<vmem>> -> memref<80x144xf32, #tpu.memory_space<vmem>>
        %dma_wait3A_420 = arith.constant 0 : i32
        %dma_wait3A_421 = tpu.memref_slice %arg8[%run_scoped3A_218, %dma_wait3A_420] : memref<3x80xi32, #tpu.memory_space<vmem>> -> memref<1x80xi32, #tpu.memory_space<vmem>>
        %dma_wait3A_422 = tpu.memref_squeeze %dma_wait3A_421 : memref<1x80xi32, #tpu.memory_space<vmem>> -> memref<80xi32, #tpu.memory_space<vmem>>
        %dma_wait3A_423 = arith.constant 0 : i32
        %dma_wait3A_424 = arith.constant 0 : i32
        %dma_wait3A_425 = tpu.memref_slice %arg6[%dma_wait3A_423, %dma_wait3A_424] : memref<10240x144xf32, #tpu.memory_space<vmem_shared>> -> memref<10240x144xf32, #tpu.memory_space<vmem_shared>>
        tpu.wait_indirect_dma semaphore(%run_scoped3A_405 : memref<!tpu.dma_semaphore, #tpu.memory_space<semaphore_mem>>) src(%dma_wait3A_419 : memref<80x144xf32, #tpu.memory_space<vmem>>) dst(%dma_wait3A_425 : memref<10240x144xf32, #tpu.memory_space<vmem_shared>>)
        tpu.yield
      }) : () -> ()
      %add3A_219 = arith.constant 3 : i32
      %add3A_220 = arith.addi %mul3A_160, %add3A_219 : i32
      %mul3A_221 = arith.constant 80 : i32
      %mul3A_222 = arith.muli %add3A_220, %mul3A_221 : i32
      %add3A_223 = arith.addi %mul3A_6, %mul3A_222 : i32
      %dma_start3A_224 = arith.constant 0 : i32
      %dma_start3A_225 = arith.constant 0 : i32
      %dma_start3A_226 = arith.constant 0 : i32
      %dma_start3A_227 = tpu.memref_slice %arg7[%dma_start3A_225, %dma_start3A_226] : memref<3x80xi32, #tpu.memory_space<vmem>> -> memref<1x80xi32, #tpu.memory_space<vmem>>
      %dma_start3A_228 = tpu.memref_squeeze %dma_start3A_227 : memref<1x80xi32, #tpu.memory_space<vmem>> -> memref<80xi32, #tpu.memory_space<vmem>>
      %dma_start3A_229 = tpu.memref_slice %arg3[%dma_start3A_224, %add3A_223] : memref<2x320000xi32, #tpu.memory_space<hbm>> -> memref<1x80xi32, #tpu.memory_space<hbm>>
      %dma_start3A_230 = tpu.memref_squeeze %dma_start3A_229 : memref<1x80xi32, #tpu.memory_space<hbm>> -> memref<80xi32, #tpu.memory_space<hbm>>
      %dma_start3A_231 = arith.constant 0 : i32
      %dma_start3A_232 = tpu.memref_slice %arg7[%dma_start3A_225, %dma_start3A_231] : memref<3x80xi32, #tpu.memory_space<vmem>> -> memref<1x80xi32, #tpu.memory_space<vmem>>
      %dma_start3A_233 = tpu.memref_squeeze %dma_start3A_232 : memref<1x80xi32, #tpu.memory_space<vmem>> -> memref<80xi32, #tpu.memory_space<vmem>>
      %dma_start3A_234 = tpu.memref_slice %arg3[%dma_start3A_224, %add3A_223] : memref<2x320000xi32, #tpu.memory_space<hbm>> -> memref<1x80xi32, #tpu.memory_space<hbm>>
      %dma_start3A_235 = tpu.memref_squeeze %dma_start3A_234 : memref<1x80xi32, #tpu.memory_space<hbm>> -> memref<80xi32, #tpu.memory_space<hbm>>
      tpu.enqueue_dma source(%dma_start3A_235 : memref<80xi32, #tpu.memory_space<hbm>>) target(%dma_start3A_233 : memref<80xi32, #tpu.memory_space<vmem>>) target_semaphore(%arg11 : memref<!tpu.dma_semaphore, #tpu.memory_space<semaphore_mem>>)
      %mul3A_236 = arith.constant 80 : i32
      %mul3A_237 = arith.muli %add3A_220, %mul3A_236 : i32
      %add3A_238 = arith.addi %mul3A_6, %mul3A_237 : i32
      %dma_start3A_239 = arith.constant 1 : i32
      %dma_start3A_240 = arith.constant 0 : i32
      %dma_start3A_241 = arith.constant 0 : i32
      %dma_start3A_242 = tpu.memref_slice %arg8[%dma_start3A_240, %dma_start3A_241] : memref<3x80xi32, #tpu.memory_space<vmem>> -> memref<1x80xi32, #tpu.memory_space<vmem>>
      %dma_start3A_243 = tpu.memref_squeeze %dma_start3A_242 : memref<1x80xi32, #tpu.memory_space<vmem>> -> memref<80xi32, #tpu.memory_space<vmem>>
      %dma_start3A_244 = tpu.memref_slice %arg3[%dma_start3A_239, %add3A_238] : memref<2x320000xi32, #tpu.memory_space<hbm>> -> memref<1x80xi32, #tpu.memory_space<hbm>>
      %dma_start3A_245 = tpu.memref_squeeze %dma_start3A_244 : memref<1x80xi32, #tpu.memory_space<hbm>> -> memref<80xi32, #tpu.memory_space<hbm>>
      %dma_start3A_246 = arith.constant 0 : i32
      %dma_start3A_247 = tpu.memref_slice %arg8[%dma_start3A_240, %dma_start3A_246] : memref<3x80xi32, #tpu.memory_space<vmem>> -> memref<1x80xi32, #tpu.memory_space<vmem>>
      %dma_start3A_248 = tpu.memref_squeeze %dma_start3A_247 : memref<1x80xi32, #tpu.memory_space<vmem>> -> memref<80xi32, #tpu.memory_space<vmem>>
      %dma_start3A_249 = tpu.memref_slice %arg3[%dma_start3A_239, %add3A_238] : memref<2x320000xi32, #tpu.memory_space<hbm>> -> memref<1x80xi32, #tpu.memory_space<hbm>>
      %dma_start3A_250 = tpu.memref_squeeze %dma_start3A_249 : memref<1x80xi32, #tpu.memory_space<hbm>> -> memref<80xi32, #tpu.memory_space<hbm>>
      tpu.enqueue_dma source(%dma_start3A_250 : memref<80xi32, #tpu.memory_space<hbm>>) target(%dma_start3A_248 : memref<80xi32, #tpu.memory_space<vmem>>) target_semaphore(%arg11 : memref<!tpu.dma_semaphore, #tpu.memory_space<semaphore_mem>>)
      %add3A_251 = arith.constant 1 : i32
      %add3A_252 = arith.addi %mul3A_160, %add3A_251 : i32
      %dma_wait3A_253 = arith.constant 1 : i32
      %dma_wait3A_254 = arith.constant 1 : i32
      %dma_wait3A_255 = arith.constant 0 : i32
      %dma_wait3A_256 = arith.constant 0 : i32
      %dma_wait3A_257 = tpu.memref_slice %arg9[%dma_wait3A_254, %dma_wait3A_255, %dma_wait3A_256] : memref<3x80x144xf32, #tpu.memory_space<vmem>> -> memref<1x80x144xf32, #tpu.memory_space<vmem>>
      %dma_wait3A_258 = tpu.memref_squeeze %dma_wait3A_257 : memref<1x80x144xf32, #tpu.memory_space<vmem>> -> memref<80x144xf32, #tpu.memory_space<vmem>>
      %dma_wait3A_259 = arith.constant 0 : i32
      %dma_wait3A_260 = tpu.memref_slice %arg7[%dma_wait3A_253, %dma_wait3A_259] : memref<3x80xi32, #tpu.memory_space<vmem>> -> memref<1x80xi32, #tpu.memory_space<vmem>>
      %dma_wait3A_261 = tpu.memref_squeeze %dma_wait3A_260 : memref<1x80xi32, #tpu.memory_space<vmem>> -> memref<80xi32, #tpu.memory_space<vmem>>
      %dma_wait3A_262 = arith.constant 0 : i32
      %dma_wait3A_263 = arith.constant 0 : i32
      %dma_wait3A_264 = tpu.memref_slice %arg2[%dma_wait3A_262, %dma_wait3A_263] : memref<10000x144xf32, #tpu.memory_space<hbm>> -> memref<10000x144xf32, #tpu.memory_space<hbm>>
      tpu.wait_indirect_dma semaphore(%arg10 : memref<!tpu.dma_semaphore, #tpu.memory_space<semaphore_mem>>) src(%dma_wait3A_264 : memref<10000x144xf32, #tpu.memory_space<hbm>>) dst(%dma_wait3A_258 : memref<80x144xf32, #tpu.memory_space<vmem>>)
      %add3A_265 = arith.constant 2 : i32
      %add3A_266 = arith.addi %add3A_252, %add3A_265 : i32
      %mul3A_267 = arith.constant 80 : i32
      %mul3A_268 = arith.muli %add3A_266, %mul3A_267 : i32
      %add3A_269 = arith.addi %mul3A_6, %mul3A_268 : i32
      %dma_wait3A_270 = arith.constant 0 : i32
      %dma_wait3A_271 = arith.constant 0 : i32
      %dma_wait3A_272 = arith.constant 0 : i32
      %dma_wait3A_273 = tpu.memref_slice %arg7[%dma_wait3A_271, %dma_wait3A_272] : memref<3x80xi32, #tpu.memory_space<vmem>> -> memref<1x80xi32, #tpu.memory_space<vmem>>
      %dma_wait3A_274 = tpu.memref_squeeze %dma_wait3A_273 : memref<1x80xi32, #tpu.memory_space<vmem>> -> memref<80xi32, #tpu.memory_space<vmem>>
      %dma_wait3A_275 = tpu.memref_slice %arg3[%dma_wait3A_270, %add3A_269] : memref<2x320000xi32, #tpu.memory_space<hbm>> -> memref<1x80xi32, #tpu.memory_space<hbm>>
      %dma_wait3A_276 = tpu.memref_squeeze %dma_wait3A_275 : memref<1x80xi32, #tpu.memory_space<hbm>> -> memref<80xi32, #tpu.memory_space<hbm>>
      %dma_wait3A_277 = arith.constant 0 : i32
      %dma_wait3A_278 = tpu.memref_slice %arg7[%dma_wait3A_271, %dma_wait3A_277] : memref<3x80xi32, #tpu.memory_space<vmem>> -> memref<1x80xi32, #tpu.memory_space<vmem>>
      %dma_wait3A_279 = tpu.memref_squeeze %dma_wait3A_278 : memref<1x80xi32, #tpu.memory_space<vmem>> -> memref<80xi32, #tpu.memory_space<vmem>>
      %dma_wait3A_280 = tpu.memref_slice %arg3[%dma_wait3A_270, %add3A_269] : memref<2x320000xi32, #tpu.memory_space<hbm>> -> memref<1x80xi32, #tpu.memory_space<hbm>>
      %dma_wait3A_281 = tpu.memref_squeeze %dma_wait3A_280 : memref<1x80xi32, #tpu.memory_space<hbm>> -> memref<80xi32, #tpu.memory_space<hbm>>
      tpu.wait_dma2 semaphore(%arg11 : memref<!tpu.dma_semaphore, #tpu.memory_space<semaphore_mem>>) src(%dma_wait3A_281 : memref<80xi32, #tpu.memory_space<hbm>>) dst(%dma_wait3A_279 : memref<80xi32, #tpu.memory_space<vmem>>)
      %mul3A_282 = arith.constant 80 : i32
      %mul3A_283 = arith.muli %add3A_266, %mul3A_282 : i32
      %add3A_284 = arith.addi %mul3A_6, %mul3A_283 : i32
      %dma_wait3A_285 = arith.constant 1 : i32
      %dma_wait3A_286 = arith.constant 0 : i32
      %dma_wait3A_287 = arith.constant 0 : i32
      %dma_wait3A_288 = tpu.memref_slice %arg8[%dma_wait3A_286, %dma_wait3A_287] : memref<3x80xi32, #tpu.memory_space<vmem>> -> memref<1x80xi32, #tpu.memory_space<vmem>>
      %dma_wait3A_289 = tpu.memref_squeeze %dma_wait3A_288 : memref<1x80xi32, #tpu.memory_space<vmem>> -> memref<80xi32, #tpu.memory_space<vmem>>
      %dma_wait3A_290 = tpu.memref_slice %arg3[%dma_wait3A_285, %add3A_284] : memref<2x320000xi32, #tpu.memory_space<hbm>> -> memref<1x80xi32, #tpu.memory_space<hbm>>
      %dma_wait3A_291 = tpu.memref_squeeze %dma_wait3A_290 : memref<1x80xi32, #tpu.memory_space<hbm>> -> memref<80xi32, #tpu.memory_space<hbm>>
      %dma_wait3A_292 = arith.constant 0 : i32
      %dma_wait3A_293 = tpu.memref_slice %arg8[%dma_wait3A_286, %dma_wait3A_292] : memref<3x80xi32, #tpu.memory_space<vmem>> -> memref<1x80xi32, #tpu.memory_space<vmem>>
      %dma_wait3A_294 = tpu.memref_squeeze %dma_wait3A_293 : memref<1x80xi32, #tpu.memory_space<vmem>> -> memref<80xi32, #tpu.memory_space<vmem>>
      %dma_wait3A_295 = tpu.memref_slice %arg3[%dma_wait3A_285, %add3A_284] : memref<2x320000xi32, #tpu.memory_space<hbm>> -> memref<1x80xi32, #tpu.memory_space<hbm>>
      %dma_wait3A_296 = tpu.memref_squeeze %dma_wait3A_295 : memref<1x80xi32, #tpu.memory_space<hbm>> -> memref<80xi32, #tpu.memory_space<hbm>>
      tpu.wait_dma2 semaphore(%arg11 : memref<!tpu.dma_semaphore, #tpu.memory_space<semaphore_mem>>) src(%dma_wait3A_296 : memref<80xi32, #tpu.memory_space<hbm>>) dst(%dma_wait3A_294 : memref<80xi32, #tpu.memory_space<vmem>>)
      %dma_start3A_297 = arith.constant 0 : i32
      %dma_start3A_298 = arith.constant 0 : i32
      %dma_start3A_299 = arith.constant 0 : i32
      %dma_start3A_300 = arith.constant 0 : i32
      %dma_start3A_301 = tpu.memref_slice %arg9[%dma_start3A_298, %dma_start3A_299, %dma_start3A_300] : memref<3x80x144xf32, #tpu.memory_space<vmem>> -> memref<1x80x144xf32, #tpu.memory_space<vmem>>
      %dma_start3A_302 = tpu.memref_squeeze %dma_start3A_301 : memref<1x80x144xf32, #tpu.memory_space<vmem>> -> memref<80x144xf32, #tpu.memory_space<vmem>>
      %dma_start3A_303 = arith.constant 0 : i32
      %dma_start3A_304 = tpu.memref_slice %arg7[%dma_start3A_297, %dma_start3A_303] : memref<3x80xi32, #tpu.memory_space<vmem>> -> memref<1x80xi32, #tpu.memory_space<vmem>>
      %dma_start3A_305 = tpu.memref_squeeze %dma_start3A_304 : memref<1x80xi32, #tpu.memory_space<vmem>> -> memref<80xi32, #tpu.memory_space<vmem>>
      %dma_start3A_306 = arith.constant 0 : i32
      %dma_start3A_307 = arith.constant 0 : i32
      %dma_start3A_308 = tpu.memref_slice %arg2[%dma_start3A_306, %dma_start3A_307] : memref<10000x144xf32, #tpu.memory_space<hbm>> -> memref<10000x144xf32, #tpu.memory_space<hbm>>
      tpu.enqueue_indirect_dma source(%dma_start3A_308 : memref<10000x144xf32, #tpu.memory_space<hbm>>) target(%dma_start3A_302 : memref<80x144xf32, #tpu.memory_space<vmem>>) offsets(%dma_start3A_305 : memref<80xi32, #tpu.memory_space<vmem>>) semaphore(%arg10 : memref<!tpu.dma_semaphore, #tpu.memory_space<semaphore_mem>>)
      %run_scoped3A_309 = arith.constant 1 : i32
      %run_scoped3A_310 = arith.constant 1 : i32
      "tpu.region"() ({
        %run_scoped3A_405 = tpu.sem_alloc : memref<!tpu.dma_semaphore, #tpu.memory_space<semaphore_mem>>
        %dma_start3A_406 = arith.constant 0 : i32
        %dma_start3A_407 = arith.constant 0 : i32
        %dma_start3A_408 = tpu.memref_slice %arg9[%run_scoped3A_309, %dma_start3A_406, %dma_start3A_407] : memref<3x80x144xf32, #tpu.memory_space<vmem>> -> memref<1x80x144xf32, #tpu.memory_space<vmem>>
        %dma_start3A_409 = tpu.memref_squeeze %dma_start3A_408 : memref<1x80x144xf32, #tpu.memory_space<vmem>> -> memref<80x144xf32, #tpu.memory_space<vmem>>
        %dma_start3A_410 = arith.constant 0 : i32
        %dma_start3A_411 = tpu.memref_slice %arg8[%run_scoped3A_310, %dma_start3A_410] : memref<3x80xi32, #tpu.memory_space<vmem>> -> memref<1x80xi32, #tpu.memory_space<vmem>>
        %dma_start3A_412 = tpu.memref_squeeze %dma_start3A_411 : memref<1x80xi32, #tpu.memory_space<vmem>> -> memref<80xi32, #tpu.memory_space<vmem>>
        %dma_start3A_413 = arith.constant 0 : i32
        %dma_start3A_414 = arith.constant 0 : i32
        %dma_start3A_415 = tpu.memref_slice %arg6[%dma_start3A_413, %dma_start3A_414] : memref<10240x144xf32, #tpu.memory_space<vmem_shared>> -> memref<10240x144xf32, #tpu.memory_space<vmem_shared>>
        tpu.enqueue_indirect_dma source(%dma_start3A_409 : memref<80x144xf32, #tpu.memory_space<vmem>>) target(%dma_start3A_415 : memref<10240x144xf32, #tpu.memory_space<vmem_shared>>) offsets(%dma_start3A_412 : memref<80xi32, #tpu.memory_space<vmem>>) semaphore(%run_scoped3A_405 : memref<!tpu.dma_semaphore, #tpu.memory_space<semaphore_mem>>) {add = true}
        %dma_wait3A_416 = arith.constant 0 : i32
        %dma_wait3A_417 = arith.constant 0 : i32
        %dma_wait3A_418 = tpu.memref_slice %arg9[%run_scoped3A_309, %dma_wait3A_416, %dma_wait3A_417] : memref<3x80x144xf32, #tpu.memory_space<vmem>> -> memref<1x80x144xf32, #tpu.memory_space<vmem>>
        %dma_wait3A_419 = tpu.memref_squeeze %dma_wait3A_418 : memref<1x80x144xf32, #tpu.memory_space<vmem>> -> memref<80x144xf32, #tpu.memory_space<vmem>>
        %dma_wait3A_420 = arith.constant 0 : i32
        %dma_wait3A_421 = tpu.memref_slice %arg8[%run_scoped3A_310, %dma_wait3A_420] : memref<3x80xi32, #tpu.memory_space<vmem>> -> memref<1x80xi32, #tpu.memory_space<vmem>>
        %dma_wait3A_422 = tpu.memref_squeeze %dma_wait3A_421 : memref<1x80xi32, #tpu.memory_space<vmem>> -> memref<80xi32, #tpu.memory_space<vmem>>
        %dma_wait3A_423 = arith.constant 0 : i32
        %dma_wait3A_424 = arith.constant 0 : i32
        %dma_wait3A_425 = tpu.memref_slice %arg6[%dma_wait3A_423, %dma_wait3A_424] : memref<10240x144xf32, #tpu.memory_space<vmem_shared>> -> memref<10240x144xf32, #tpu.memory_space<vmem_shared>>
        tpu.wait_indirect_dma semaphore(%run_scoped3A_405 : memref<!tpu.dma_semaphore, #tpu.memory_space<semaphore_mem>>) src(%dma_wait3A_419 : memref<80x144xf32, #tpu.memory_space<vmem>>) dst(%dma_wait3A_425 : memref<10240x144xf32, #tpu.memory_space<vmem_shared>>)
        tpu.yield
      }) : () -> ()
      %add3A_311 = arith.constant 4 : i32
      %add3A_312 = arith.addi %mul3A_160, %add3A_311 : i32
      %mul3A_313 = arith.constant 80 : i32
      %mul3A_314 = arith.muli %add3A_312, %mul3A_313 : i32
      %add3A_315 = arith.addi %mul3A_6, %mul3A_314 : i32
      %dma_start3A_316 = arith.constant 0 : i32
      %dma_start3A_317 = arith.constant 1 : i32
      %dma_start3A_318 = arith.constant 0 : i32
      %dma_start3A_319 = tpu.memref_slice %arg7[%dma_start3A_317, %dma_start3A_318] : memref<3x80xi32, #tpu.memory_space<vmem>> -> memref<1x80xi32, #tpu.memory_space<vmem>>
      %dma_start3A_320 = tpu.memref_squeeze %dma_start3A_319 : memref<1x80xi32, #tpu.memory_space<vmem>> -> memref<80xi32, #tpu.memory_space<vmem>>
      %dma_start3A_321 = tpu.memref_slice %arg3[%dma_start3A_316, %add3A_315] : memref<2x320000xi32, #tpu.memory_space<hbm>> -> memref<1x80xi32, #tpu.memory_space<hbm>>
      %dma_start3A_322 = tpu.memref_squeeze %dma_start3A_321 : memref<1x80xi32, #tpu.memory_space<hbm>> -> memref<80xi32, #tpu.memory_space<hbm>>
      %dma_start3A_323 = arith.constant 0 : i32
      %dma_start3A_324 = tpu.memref_slice %arg7[%dma_start3A_317, %dma_start3A_323] : memref<3x80xi32, #tpu.memory_space<vmem>> -> memref<1x80xi32, #tpu.memory_space<vmem>>
      %dma_start3A_325 = tpu.memref_squeeze %dma_start3A_324 : memref<1x80xi32, #tpu.memory_space<vmem>> -> memref<80xi32, #tpu.memory_space<vmem>>
      %dma_start3A_326 = tpu.memref_slice %arg3[%dma_start3A_316, %add3A_315] : memref<2x320000xi32, #tpu.memory_space<hbm>> -> memref<1x80xi32, #tpu.memory_space<hbm>>
      %dma_start3A_327 = tpu.memref_squeeze %dma_start3A_326 : memref<1x80xi32, #tpu.memory_space<hbm>> -> memref<80xi32, #tpu.memory_space<hbm>>
      tpu.enqueue_dma source(%dma_start3A_327 : memref<80xi32, #tpu.memory_space<hbm>>) target(%dma_start3A_325 : memref<80xi32, #tpu.memory_space<vmem>>) target_semaphore(%arg11 : memref<!tpu.dma_semaphore, #tpu.memory_space<semaphore_mem>>)
      %mul3A_328 = arith.constant 80 : i32
      %mul3A_329 = arith.muli %add3A_312, %mul3A_328 : i32
      %add3A_330 = arith.addi %mul3A_6, %mul3A_329 : i32
      %dma_start3A_331 = arith.constant 1 : i32
      %dma_start3A_332 = arith.constant 1 : i32
      %dma_start3A_333 = arith.constant 0 : i32
      %dma_start3A_334 = tpu.memref_slice %arg8[%dma_start3A_332, %dma_start3A_333] : memref<3x80xi32, #tpu.memory_space<vmem>> -> memref<1x80xi32, #tpu.memory_space<vmem>>
      %dma_start3A_335 = tpu.memref_squeeze %dma_start3A_334 : memref<1x80xi32, #tpu.memory_space<vmem>> -> memref<80xi32, #tpu.memory_space<vmem>>
      %dma_start3A_336 = tpu.memref_slice %arg3[%dma_start3A_331, %add3A_330] : memref<2x320000xi32, #tpu.memory_space<hbm>> -> memref<1x80xi32, #tpu.memory_space<hbm>>
      %dma_start3A_337 = tpu.memref_squeeze %dma_start3A_336 : memref<1x80xi32, #tpu.memory_space<hbm>> -> memref<80xi32, #tpu.memory_space<hbm>>
      %dma_start3A_338 = arith.constant 0 : i32
      %dma_start3A_339 = tpu.memref_slice %arg8[%dma_start3A_332, %dma_start3A_338] : memref<3x80xi32, #tpu.memory_space<vmem>> -> memref<1x80xi32, #tpu.memory_space<vmem>>
      %dma_start3A_340 = tpu.memref_squeeze %dma_start3A_339 : memref<1x80xi32, #tpu.memory_space<vmem>> -> memref<80xi32, #tpu.memory_space<vmem>>
      %dma_start3A_341 = tpu.memref_slice %arg3[%dma_start3A_331, %add3A_330] : memref<2x320000xi32, #tpu.memory_space<hbm>> -> memref<1x80xi32, #tpu.memory_space<hbm>>
      %dma_start3A_342 = tpu.memref_squeeze %dma_start3A_341 : memref<1x80xi32, #tpu.memory_space<hbm>> -> memref<80xi32, #tpu.memory_space<hbm>>
      tpu.enqueue_dma source(%dma_start3A_342 : memref<80xi32, #tpu.memory_space<hbm>>) target(%dma_start3A_340 : memref<80xi32, #tpu.memory_space<vmem>>) target_semaphore(%arg11 : memref<!tpu.dma_semaphore, #tpu.memory_space<semaphore_mem>>)
      %add3A_343 = arith.constant 2 : i32
      %add3A_344 = arith.addi %mul3A_160, %add3A_343 : i32
      %dma_wait3A_345 = arith.constant 2 : i32
      %dma_wait3A_346 = arith.constant 2 : i32
      %dma_wait3A_347 = arith.constant 0 : i32
      %dma_wait3A_348 = arith.constant 0 : i32
      %dma_wait3A_349 = tpu.memref_slice %arg9[%dma_wait3A_346, %dma_wait3A_347, %dma_wait3A_348] : memref<3x80x144xf32, #tpu.memory_space<vmem>> -> memref<1x80x144xf32, #tpu.memory_space<vmem>>
      %dma_wait3A_350 = tpu.memref_squeeze %dma_wait3A_349 : memref<1x80x144xf32, #tpu.memory_space<vmem>> -> memref<80x144xf32, #tpu.memory_space<vmem>>
      %dma_wait3A_351 = arith.constant 0 : i32
      %dma_wait3A_352 = tpu.memref_slice %arg7[%dma_wait3A_345, %dma_wait3A_351] : memref<3x80xi32, #tpu.memory_space<vmem>> -> memref<1x80xi32, #tpu.memory_space<vmem>>
      %dma_wait3A_353 = tpu.memref_squeeze %dma_wait3A_352 : memref<1x80xi32, #tpu.memory_space<vmem>> -> memref<80xi32, #tpu.memory_space<vmem>>
      %dma_wait3A_354 = arith.constant 0 : i32
      %dma_wait3A_355 = arith.constant 0 : i32
      %dma_wait3A_356 = tpu.memref_slice %arg2[%dma_wait3A_354, %dma_wait3A_355] : memref<10000x144xf32, #tpu.memory_space<hbm>> -> memref<10000x144xf32, #tpu.memory_space<hbm>>
      tpu.wait_indirect_dma semaphore(%arg10 : memref<!tpu.dma_semaphore, #tpu.memory_space<semaphore_mem>>) src(%dma_wait3A_356 : memref<10000x144xf32, #tpu.memory_space<hbm>>) dst(%dma_wait3A_350 : memref<80x144xf32, #tpu.memory_space<vmem>>)
      %add3A_357 = arith.constant 2 : i32
      %add3A_358 = arith.addi %add3A_344, %add3A_357 : i32
      %mul3A_359 = arith.constant 80 : i32
      %mul3A_360 = arith.muli %add3A_358, %mul3A_359 : i32
      %add3A_361 = arith.addi %mul3A_6, %mul3A_360 : i32
      %dma_wait3A_362 = arith.constant 0 : i32
      %dma_wait3A_363 = arith.constant 1 : i32
      %dma_wait3A_364 = arith.constant 0 : i32
      %dma_wait3A_365 = tpu.memref_slice %arg7[%dma_wait3A_363, %dma_wait3A_364] : memref<3x80xi32, #tpu.memory_space<vmem>> -> memref<1x80xi32, #tpu.memory_space<vmem>>
      %dma_wait3A_366 = tpu.memref_squeeze %dma_wait3A_365 : memref<1x80xi32, #tpu.memory_space<vmem>> -> memref<80xi32, #tpu.memory_space<vmem>>
      %dma_wait3A_367 = tpu.memref_slice %arg3[%dma_wait3A_362, %add3A_361] : memref<2x320000xi32, #tpu.memory_space<hbm>> -> memref<1x80xi32, #tpu.memory_space<hbm>>
      %dma_wait3A_368 = tpu.memref_squeeze %dma_wait3A_367 : memref<1x80xi32, #tpu.memory_space<hbm>> -> memref<80xi32, #tpu.memory_space<hbm>>
      %dma_wait3A_369 = arith.constant 0 : i32
      %dma_wait3A_370 = tpu.memref_slice %arg7[%dma_wait3A_363, %dma_wait3A_369] : memref<3x80xi32, #tpu.memory_space<vmem>> -> memref<1x80xi32, #tpu.memory_space<vmem>>
      %dma_wait3A_371 = tpu.memref_squeeze %dma_wait3A_370 : memref<1x80xi32, #tpu.memory_space<vmem>> -> memref<80xi32, #tpu.memory_space<vmem>>
      %dma_wait3A_372 = tpu.memref_slice %arg3[%dma_wait3A_362, %add3A_361] : memref<2x320000xi32, #tpu.memory_space<hbm>> -> memref<1x80xi32, #tpu.memory_space<hbm>>
      %dma_wait3A_373 = tpu.memref_squeeze %dma_wait3A_372 : memref<1x80xi32, #tpu.memory_space<hbm>> -> memref<80xi32, #tpu.memory_space<hbm>>
      tpu.wait_dma2 semaphore(%arg11 : memref<!tpu.dma_semaphore, #tpu.memory_space<semaphore_mem>>) src(%dma_wait3A_373 : memref<80xi32, #tpu.memory_space<hbm>>) dst(%dma_wait3A_371 : memref<80xi32, #tpu.memory_space<vmem>>)
      %mul3A_374 = arith.constant 80 : i32
      %mul3A_375 = arith.muli %add3A_358, %mul3A_374 : i32
      %add3A_376 = arith.addi %mul3A_6, %mul3A_375 : i32
      %dma_wait3A_377 = arith.constant 1 : i32
      %dma_wait3A_378 = arith.constant 1 : i32
      %dma_wait3A_379 = arith.constant 0 : i32
      %dma_wait3A_380 = tpu.memref_slice %arg8[%dma_wait3A_378, %dma_wait3A_379] : memref<3x80xi32, #tpu.memory_space<vmem>> -> memref<1x80xi32, #tpu.memory_space<vmem>>
      %dma_wait3A_381 = tpu.memref_squeeze %dma_wait3A_380 : memref<1x80xi32, #tpu.memory_space<vmem>> -> memref<80xi32, #tpu.memory_space<vmem>>
      %dma_wait3A_382 = tpu.memref_slice %arg3[%dma_wait3A_377, %add3A_376] : memref<2x320000xi32, #tpu.memory_space<hbm>> -> memref<1x80xi32, #tpu.memory_space<hbm>>
      %dma_wait3A_383 = tpu.memref_squeeze %dma_wait3A_382 : memref<1x80xi32, #tpu.memory_space<hbm>> -> memref<80xi32, #tpu.memory_space<hbm>>
      %dma_wait3A_384 = arith.constant 0 : i32
      %dma_wait3A_385 = tpu.memref_slice %arg8[%dma_wait3A_378, %dma_wait3A_384] : memref<3x80xi32, #tpu.memory_space<vmem>> -> memref<1x80xi32, #tpu.memory_space<vmem>>
      %dma_wait3A_386 = tpu.memref_squeeze %dma_wait3A_385 : memref<1x80xi32, #tpu.memory_space<vmem>> -> memref<80xi32, #tpu.memory_space<vmem>>
      %dma_wait3A_387 = tpu.memref_slice %arg3[%dma_wait3A_377, %add3A_376] : memref<2x320000xi32, #tpu.memory_space<hbm>> -> memref<1x80xi32, #tpu.memory_space<hbm>>
      %dma_wait3A_388 = tpu.memref_squeeze %dma_wait3A_387 : memref<1x80xi32, #tpu.memory_space<hbm>> -> memref<80xi32, #tpu.memory_space<hbm>>
      tpu.wait_dma2 semaphore(%arg11 : memref<!tpu.dma_semaphore, #tpu.memory_space<semaphore_mem>>) src(%dma_wait3A_388 : memref<80xi32, #tpu.memory_space<hbm>>) dst(%dma_wait3A_386 : memref<80xi32, #tpu.memory_space<vmem>>)
      %dma_start3A_389 = arith.constant 1 : i32
      %dma_start3A_390 = arith.constant 1 : i32
      %dma_start3A_391 = arith.constant 0 : i32
      %dma_start3A_392 = arith.constant 0 : i32
      %dma_start3A_393 = tpu.memref_slice %arg9[%dma_start3A_390, %dma_start3A_391, %dma_start3A_392] : memref<3x80x144xf32, #tpu.memory_space<vmem>> -> memref<1x80x144xf32, #tpu.memory_space<vmem>>
      %dma_start3A_394 = tpu.memref_squeeze %dma_start3A_393 : memref<1x80x144xf32, #tpu.memory_space<vmem>> -> memref<80x144xf32, #tpu.memory_space<vmem>>
      %dma_start3A_395 = arith.constant 0 : i32
      %dma_start3A_396 = tpu.memref_slice %arg7[%dma_start3A_389, %dma_start3A_395] : memref<3x80xi32, #tpu.memory_space<vmem>> -> memref<1x80xi32, #tpu.memory_space<vmem>>
      %dma_start3A_397 = tpu.memref_squeeze %dma_start3A_396 : memref<1x80xi32, #tpu.memory_space<vmem>> -> memref<80xi32, #tpu.memory_space<vmem>>
      %dma_start3A_398 = arith.constant 0 : i32
      %dma_start3A_399 = arith.constant 0 : i32
      %dma_start3A_400 = tpu.memref_slice %arg2[%dma_start3A_398, %dma_start3A_399] : memref<10000x144xf32, #tpu.memory_space<hbm>> -> memref<10000x144xf32, #tpu.memory_space<hbm>>
      tpu.enqueue_indirect_dma source(%dma_start3A_400 : memref<10000x144xf32, #tpu.memory_space<hbm>>) target(%dma_start3A_394 : memref<80x144xf32, #tpu.memory_space<vmem>>) offsets(%dma_start3A_397 : memref<80xi32, #tpu.memory_space<vmem>>) semaphore(%arg10 : memref<!tpu.dma_semaphore, #tpu.memory_space<semaphore_mem>>)
      %run_scoped3A_401 = arith.constant 2 : i32
      %run_scoped3A_402 = arith.constant 2 : i32
      "tpu.region"() ({
        %run_scoped3A_405 = tpu.sem_alloc : memref<!tpu.dma_semaphore, #tpu.memory_space<semaphore_mem>>
        %dma_start3A_406 = arith.constant 0 : i32
        %dma_start3A_407 = arith.constant 0 : i32
        %dma_start3A_408 = tpu.memref_slice %arg9[%run_scoped3A_401, %dma_start3A_406, %dma_start3A_407] : memref<3x80x144xf32, #tpu.memory_space<vmem>> -> memref<1x80x144xf32, #tpu.memory_space<vmem>>
        %dma_start3A_409 = tpu.memref_squeeze %dma_start3A_408 : memref<1x80x144xf32, #tpu.memory_space<vmem>> -> memref<80x144xf32, #tpu.memory_space<vmem>>
        %dma_start3A_410 = arith.constant 0 : i32
        %dma_start3A_411 = tpu.memref_slice %arg8[%run_scoped3A_402, %dma_start3A_410] : memref<3x80xi32, #tpu.memory_space<vmem>> -> memref<1x80xi32, #tpu.memory_space<vmem>>
        %dma_start3A_412 = tpu.memref_squeeze %dma_start3A_411 : memref<1x80xi32, #tpu.memory_space<vmem>> -> memref<80xi32, #tpu.memory_space<vmem>>
        %dma_start3A_413 = arith.constant 0 : i32
        %dma_start3A_414 = arith.constant 0 : i32
        %dma_start3A_415 = tpu.memref_slice %arg6[%dma_start3A_413, %dma_start3A_414] : memref<10240x144xf32, #tpu.memory_space<vmem_shared>> -> memref<10240x144xf32, #tpu.memory_space<vmem_shared>>
        tpu.enqueue_indirect_dma source(%dma_start3A_409 : memref<80x144xf32, #tpu.memory_space<vmem>>) target(%dma_start3A_415 : memref<10240x144xf32, #tpu.memory_space<vmem_shared>>) offsets(%dma_start3A_412 : memref<80xi32, #tpu.memory_space<vmem>>) semaphore(%run_scoped3A_405 : memref<!tpu.dma_semaphore, #tpu.memory_space<semaphore_mem>>) {add = true}
        %dma_wait3A_416 = arith.constant 0 : i32
        %dma_wait3A_417 = arith.constant 0 : i32
        %dma_wait3A_418 = tpu.memref_slice %arg9[%run_scoped3A_401, %dma_wait3A_416, %dma_wait3A_417] : memref<3x80x144xf32, #tpu.memory_space<vmem>> -> memref<1x80x144xf32, #tpu.memory_space<vmem>>
        %dma_wait3A_419 = tpu.memref_squeeze %dma_wait3A_418 : memref<1x80x144xf32, #tpu.memory_space<vmem>> -> memref<80x144xf32, #tpu.memory_space<vmem>>
        %dma_wait3A_420 = arith.constant 0 : i32
        %dma_wait3A_421 = tpu.memref_slice %arg8[%run_scoped3A_402, %dma_wait3A_420] : memref<3x80xi32, #tpu.memory_space<vmem>> -> memref<1x80xi32, #tpu.memory_space<vmem>>
        %dma_wait3A_422 = tpu.memref_squeeze %dma_wait3A_421 : memref<1x80xi32, #tpu.memory_space<vmem>> -> memref<80xi32, #tpu.memory_space<vmem>>
        %dma_wait3A_423 = arith.constant 0 : i32
        %dma_wait3A_424 = arith.constant 0 : i32
        %dma_wait3A_425 = tpu.memref_slice %arg6[%dma_wait3A_423, %dma_wait3A_424] : memref<10240x144xf32, #tpu.memory_space<vmem_shared>> -> memref<10240x144xf32, #tpu.memory_space<vmem_shared>>
        tpu.wait_indirect_dma semaphore(%run_scoped3A_405 : memref<!tpu.dma_semaphore, #tpu.memory_space<semaphore_mem>>) src(%dma_wait3A_419 : memref<80x144xf32, #tpu.memory_space<vmem>>) dst(%dma_wait3A_425 : memref<10240x144xf32, #tpu.memory_space<vmem_shared>>)
        tpu.yield
      }) : () -> ()
      %lt3A = arith.constant 40 : i32
      %lt3A_403 = arith.cmpi slt, %scan3A_158, %lt3A : i32
      %convert_element_type3A = arith.extui %lt3A_403 : i1 to i32
      %cond3A = arith.constant 0 : i32
      %cond3A_404 = arith.cmpi ne, %convert_element_type3A, %cond3A : i32
      scf.if %cond3A_404 {
        %add3A_405 = arith.constant 5 : i32
        %add3A_406 = arith.addi %mul3A_160, %add3A_405 : i32
        %mul3A_407 = arith.constant 80 : i32
        %mul3A_408 = arith.muli %add3A_406, %mul3A_407 : i32
        %add3A_409 = arith.addi %mul3A_6, %mul3A_408 : i32
        %dma_start3A_410 = arith.constant 0 : i32
        %dma_start3A_411 = arith.constant 2 : i32
        %dma_start3A_412 = arith.constant 0 : i32
        %dma_start3A_413 = tpu.memref_slice %arg7[%dma_start3A_411, %dma_start3A_412] : memref<3x80xi32, #tpu.memory_space<vmem>> -> memref<1x80xi32, #tpu.memory_space<vmem>>
        %dma_start3A_414 = tpu.memref_squeeze %dma_start3A_413 : memref<1x80xi32, #tpu.memory_space<vmem>> -> memref<80xi32, #tpu.memory_space<vmem>>
        %dma_start3A_415 = tpu.memref_slice %arg3[%dma_start3A_410, %add3A_409] : memref<2x320000xi32, #tpu.memory_space<hbm>> -> memref<1x80xi32, #tpu.memory_space<hbm>>
        %dma_start3A_416 = tpu.memref_squeeze %dma_start3A_415 : memref<1x80xi32, #tpu.memory_space<hbm>> -> memref<80xi32, #tpu.memory_space<hbm>>
        %dma_start3A_417 = arith.constant 0 : i32
        %dma_start3A_418 = tpu.memref_slice %arg7[%dma_start3A_411, %dma_start3A_417] : memref<3x80xi32, #tpu.memory_space<vmem>> -> memref<1x80xi32, #tpu.memory_space<vmem>>
        %dma_start3A_419 = tpu.memref_squeeze %dma_start3A_418 : memref<1x80xi32, #tpu.memory_space<vmem>> -> memref<80xi32, #tpu.memory_space<vmem>>
        %dma_start3A_420 = tpu.memref_slice %arg3[%dma_start3A_410, %add3A_409] : memref<2x320000xi32, #tpu.memory_space<hbm>> -> memref<1x80xi32, #tpu.memory_space<hbm>>
        %dma_start3A_421 = tpu.memref_squeeze %dma_start3A_420 : memref<1x80xi32, #tpu.memory_space<hbm>> -> memref<80xi32, #tpu.memory_space<hbm>>
        tpu.enqueue_dma source(%dma_start3A_421 : memref<80xi32, #tpu.memory_space<hbm>>) target(%dma_start3A_419 : memref<80xi32, #tpu.memory_space<vmem>>) target_semaphore(%arg11 : memref<!tpu.dma_semaphore, #tpu.memory_space<semaphore_mem>>)
        %mul3A_422 = arith.constant 80 : i32
        %mul3A_423 = arith.muli %add3A_406, %mul3A_422 : i32
        %add3A_424 = arith.addi %mul3A_6, %mul3A_423 : i32
        %dma_start3A_425 = arith.constant 1 : i32
        %dma_start3A_426 = arith.constant 2 : i32
        %dma_start3A_427 = arith.constant 0 : i32
        %dma_start3A_428 = tpu.memref_slice %arg8[%dma_start3A_426, %dma_start3A_427] : memref<3x80xi32, #tpu.memory_space<vmem>> -> memref<1x80xi32, #tpu.memory_space<vmem>>
        %dma_start3A_429 = tpu.memref_squeeze %dma_start3A_428 : memref<1x80xi32, #tpu.memory_space<vmem>> -> memref<80xi32, #tpu.memory_space<vmem>>
        %dma_start3A_430 = tpu.memref_slice %arg3[%dma_start3A_425, %add3A_424] : memref<2x320000xi32, #tpu.memory_space<hbm>> -> memref<1x80xi32, #tpu.memory_space<hbm>>
        %dma_start3A_431 = tpu.memref_squeeze %dma_start3A_430 : memref<1x80xi32, #tpu.memory_space<hbm>> -> memref<80xi32, #tpu.memory_space<hbm>>
        %dma_start3A_432 = arith.constant 0 : i32
        %dma_start3A_433 = tpu.memref_slice %arg8[%dma_start3A_426, %dma_start3A_432] : memref<3x80xi32, #tpu.memory_space<vmem>> -> memref<1x80xi32, #tpu.memory_space<vmem>>
        %dma_start3A_434 = tpu.memref_squeeze %dma_start3A_433 : memref<1x80xi32, #tpu.memory_space<vmem>> -> memref<80xi32, #tpu.memory_space<vmem>>
        %dma_start3A_435 = tpu.memref_slice %arg3[%dma_start3A_425, %add3A_424] : memref<2x320000xi32, #tpu.memory_space<hbm>> -> memref<1x80xi32, #tpu.memory_space<hbm>>
        %dma_start3A_436 = tpu.memref_squeeze %dma_start3A_435 : memref<1x80xi32, #tpu.memory_space<hbm>> -> memref<80xi32, #tpu.memory_space<hbm>>
        tpu.enqueue_dma source(%dma_start3A_436 : memref<80xi32, #tpu.memory_space<hbm>>) target(%dma_start3A_434 : memref<80xi32, #tpu.memory_space<vmem>>) target_semaphore(%arg11 : memref<!tpu.dma_semaphore, #tpu.memory_space<semaphore_mem>>)
      } else {
      }
    }
    %scan3A_124 = arith.constant 41 : i32
    %dma_wait3A_125 = arith.constant 0 : i32
    %dma_wait3A_126 = arith.constant 0 : i32
    %dma_wait3A_127 = arith.constant 0 : i32
    %dma_wait3A_128 = arith.constant 0 : i32
    %dma_wait3A_129 = tpu.memref_slice %arg9[%dma_wait3A_126, %dma_wait3A_127, %dma_wait3A_128] : memref<3x80x144xf32, #tpu.memory_space<vmem>> -> memref<1x80x144xf32, #tpu.memory_space<vmem>>
    %dma_wait3A_130 = tpu.memref_squeeze %dma_wait3A_129 : memref<1x80x144xf32, #tpu.memory_space<vmem>> -> memref<80x144xf32, #tpu.memory_space<vmem>>
    %dma_wait3A_131 = arith.constant 0 : i32
    %dma_wait3A_132 = tpu.memref_slice %arg7[%dma_wait3A_125, %dma_wait3A_131] : memref<3x80xi32, #tpu.memory_space<vmem>> -> memref<1x80xi32, #tpu.memory_space<vmem>>
    %dma_wait3A_133 = tpu.memref_squeeze %dma_wait3A_132 : memref<1x80xi32, #tpu.memory_space<vmem>> -> memref<80xi32, #tpu.memory_space<vmem>>
    %dma_wait3A_134 = arith.constant 0 : i32
    %dma_wait3A_135 = arith.constant 0 : i32
    %dma_wait3A_136 = tpu.memref_slice %arg2[%dma_wait3A_134, %dma_wait3A_135] : memref<10000x144xf32, #tpu.memory_space<hbm>> -> memref<10000x144xf32, #tpu.memory_space<hbm>>
    tpu.wait_indirect_dma semaphore(%arg10 : memref<!tpu.dma_semaphore, #tpu.memory_space<semaphore_mem>>) src(%dma_wait3A_136 : memref<10000x144xf32, #tpu.memory_space<hbm>>) dst(%dma_wait3A_130 : memref<80x144xf32, #tpu.memory_space<vmem>>)
    %run_scoped3A_137 = arith.constant 0 : i32
    %run_scoped3A_138 = arith.constant 0 : i32
    "tpu.region"() ({
      %run_scoped3A_158 = tpu.sem_alloc : memref<!tpu.dma_semaphore, #tpu.memory_space<semaphore_mem>>
      %dma_start3A_159 = arith.constant 0 : i32
      %dma_start3A_160 = arith.constant 0 : i32
      %dma_start3A_161 = tpu.memref_slice %arg9[%run_scoped3A_137, %dma_start3A_159, %dma_start3A_160] : memref<3x80x144xf32, #tpu.memory_space<vmem>> -> memref<1x80x144xf32, #tpu.memory_space<vmem>>
      %dma_start3A_162 = tpu.memref_squeeze %dma_start3A_161 : memref<1x80x144xf32, #tpu.memory_space<vmem>> -> memref<80x144xf32, #tpu.memory_space<vmem>>
      %dma_start3A_163 = arith.constant 0 : i32
      %dma_start3A_164 = tpu.memref_slice %arg8[%run_scoped3A_138, %dma_start3A_163] : memref<3x80xi32, #tpu.memory_space<vmem>> -> memref<1x80xi32, #tpu.memory_space<vmem>>
      %dma_start3A_165 = tpu.memref_squeeze %dma_start3A_164 : memref<1x80xi32, #tpu.memory_space<vmem>> -> memref<80xi32, #tpu.memory_space<vmem>>
      %dma_start3A_166 = arith.constant 0 : i32
      %dma_start3A_167 = arith.constant 0 : i32
      %dma_start3A_168 = tpu.memref_slice %arg6[%dma_start3A_166, %dma_start3A_167] : memref<10240x144xf32, #tpu.memory_space<vmem_shared>> -> memref<10240x144xf32, #tpu.memory_space<vmem_shared>>
      tpu.enqueue_indirect_dma source(%dma_start3A_162 : memref<80x144xf32, #tpu.memory_space<vmem>>) target(%dma_start3A_168 : memref<10240x144xf32, #tpu.memory_space<vmem_shared>>) offsets(%dma_start3A_165 : memref<80xi32, #tpu.memory_space<vmem>>) semaphore(%run_scoped3A_158 : memref<!tpu.dma_semaphore, #tpu.memory_space<semaphore_mem>>) {add = true}
      %dma_wait3A_169 = arith.constant 0 : i32
      %dma_wait3A_170 = arith.constant 0 : i32
      %dma_wait3A_171 = tpu.memref_slice %arg9[%run_scoped3A_137, %dma_wait3A_169, %dma_wait3A_170] : memref<3x80x144xf32, #tpu.memory_space<vmem>> -> memref<1x80x144xf32, #tpu.memory_space<vmem>>
      %dma_wait3A_172 = tpu.memref_squeeze %dma_wait3A_171 : memref<1x80x144xf32, #tpu.memory_space<vmem>> -> memref<80x144xf32, #tpu.memory_space<vmem>>
      %dma_wait3A_173 = arith.constant 0 : i32
      %dma_wait3A_174 = tpu.memref_slice %arg8[%run_scoped3A_138, %dma_wait3A_173] : memref<3x80xi32, #tpu.memory_space<vmem>> -> memref<1x80xi32, #tpu.memory_space<vmem>>
      %dma_wait3A_175 = tpu.memref_squeeze %dma_wait3A_174 : memref<1x80xi32, #tpu.memory_space<vmem>> -> memref<80xi32, #tpu.memory_space<vmem>>
      %dma_wait3A_176 = arith.constant 0 : i32
      %dma_wait3A_177 = arith.constant 0 : i32
      %dma_wait3A_178 = tpu.memref_slice %arg6[%dma_wait3A_176, %dma_wait3A_177] : memref<10240x144xf32, #tpu.memory_space<vmem_shared>> -> memref<10240x144xf32, #tpu.memory_space<vmem_shared>>
      tpu.wait_indirect_dma semaphore(%run_scoped3A_158 : memref<!tpu.dma_semaphore, #tpu.memory_space<semaphore_mem>>) src(%dma_wait3A_172 : memref<80x144xf32, #tpu.memory_space<vmem>>) dst(%dma_wait3A_178 : memref<10240x144xf32, #tpu.memory_space<vmem_shared>>)
      tpu.yield
    }) : () -> ()
    %dma_wait3A_139 = arith.constant 1 : i32
    %dma_wait3A_140 = arith.constant 1 : i32
    %dma_wait3A_141 = arith.constant 0 : i32
    %dma_wait3A_142 = arith.constant 0 : i32
    %dma_wait3A_143 = tpu.memref_slice %arg9[%dma_wait3A_140, %dma_wait3A_141, %dma_wait3A_142] : memref<3x80x144xf32, #tpu.memory_space<vmem>> -> memref<1x80x144xf32, #tpu.memory_space<vmem>>
    %dma_wait3A_144 = tpu.memref_squeeze %dma_wait3A_143 : memref<1x80x144xf32, #tpu.memory_space<vmem>> -> memref<80x144xf32, #tpu.memory_space<vmem>>
    %dma_wait3A_145 = arith.constant 0 : i32
    %dma_wait3A_146 = tpu.memref_slice %arg7[%dma_wait3A_139, %dma_wait3A_145] : memref<3x80xi32, #tpu.memory_space<vmem>> -> memref<1x80xi32, #tpu.memory_space<vmem>>
    %dma_wait3A_147 = tpu.memref_squeeze %dma_wait3A_146 : memref<1x80xi32, #tpu.memory_space<vmem>> -> memref<80xi32, #tpu.memory_space<vmem>>
    %dma_wait3A_148 = arith.constant 0 : i32
    %dma_wait3A_149 = arith.constant 0 : i32
    %dma_wait3A_150 = tpu.memref_slice %arg2[%dma_wait3A_148, %dma_wait3A_149] : memref<10000x144xf32, #tpu.memory_space<hbm>> -> memref<10000x144xf32, #tpu.memory_space<hbm>>
    tpu.wait_indirect_dma semaphore(%arg10 : memref<!tpu.dma_semaphore, #tpu.memory_space<semaphore_mem>>) src(%dma_wait3A_150 : memref<10000x144xf32, #tpu.memory_space<hbm>>) dst(%dma_wait3A_144 : memref<80x144xf32, #tpu.memory_space<vmem>>)
    %run_scoped3A_151 = arith.constant 1 : i32
    %run_scoped3A_152 = arith.constant 1 : i32
    "tpu.region"() ({
      %run_scoped3A_158 = tpu.sem_alloc : memref<!tpu.dma_semaphore, #tpu.memory_space<semaphore_mem>>
      %dma_start3A_159 = arith.constant 0 : i32
      %dma_start3A_160 = arith.constant 0 : i32
      %dma_start3A_161 = tpu.memref_slice %arg9[%run_scoped3A_151, %dma_start3A_159, %dma_start3A_160] : memref<3x80x144xf32, #tpu.memory_space<vmem>> -> memref<1x80x144xf32, #tpu.memory_space<vmem>>
      %dma_start3A_162 = tpu.memref_squeeze %dma_start3A_161 : memref<1x80x144xf32, #tpu.memory_space<vmem>> -> memref<80x144xf32, #tpu.memory_space<vmem>>
      %dma_start3A_163 = arith.constant 0 : i32
      %dma_start3A_164 = tpu.memref_slice %arg8[%run_scoped3A_152, %dma_start3A_163] : memref<3x80xi32, #tpu.memory_space<vmem>> -> memref<1x80xi32, #tpu.memory_space<vmem>>
      %dma_start3A_165 = tpu.memref_squeeze %dma_start3A_164 : memref<1x80xi32, #tpu.memory_space<vmem>> -> memref<80xi32, #tpu.memory_space<vmem>>
      %dma_start3A_166 = arith.constant 0 : i32
      %dma_start3A_167 = arith.constant 0 : i32
      %dma_start3A_168 = tpu.memref_slice %arg6[%dma_start3A_166, %dma_start3A_167] : memref<10240x144xf32, #tpu.memory_space<vmem_shared>> -> memref<10240x144xf32, #tpu.memory_space<vmem_shared>>
      tpu.enqueue_indirect_dma source(%dma_start3A_162 : memref<80x144xf32, #tpu.memory_space<vmem>>) target(%dma_start3A_168 : memref<10240x144xf32, #tpu.memory_space<vmem_shared>>) offsets(%dma_start3A_165 : memref<80xi32, #tpu.memory_space<vmem>>) semaphore(%run_scoped3A_158 : memref<!tpu.dma_semaphore, #tpu.memory_space<semaphore_mem>>) {add = true}
      %dma_wait3A_169 = arith.constant 0 : i32
      %dma_wait3A_170 = arith.constant 0 : i32
      %dma_wait3A_171 = tpu.memref_slice %arg9[%run_scoped3A_151, %dma_wait3A_169, %dma_wait3A_170] : memref<3x80x144xf32, #tpu.memory_space<vmem>> -> memref<1x80x144xf32, #tpu.memory_space<vmem>>
      %dma_wait3A_172 = tpu.memref_squeeze %dma_wait3A_171 : memref<1x80x144xf32, #tpu.memory_space<vmem>> -> memref<80x144xf32, #tpu.memory_space<vmem>>
      %dma_wait3A_173 = arith.constant 0 : i32
      %dma_wait3A_174 = tpu.memref_slice %arg8[%run_scoped3A_152, %dma_wait3A_173] : memref<3x80xi32, #tpu.memory_space<vmem>> -> memref<1x80xi32, #tpu.memory_space<vmem>>
      %dma_wait3A_175 = tpu.memref_squeeze %dma_wait3A_174 : memref<1x80xi32, #tpu.memory_space<vmem>> -> memref<80xi32, #tpu.memory_space<vmem>>
      %dma_wait3A_176 = arith.constant 0 : i32
      %dma_wait3A_177 = arith.constant 0 : i32
      %dma_wait3A_178 = tpu.memref_slice %arg6[%dma_wait3A_176, %dma_wait3A_177] : memref<10240x144xf32, #tpu.memory_space<vmem_shared>> -> memref<10240x144xf32, #tpu.memory_space<vmem_shared>>
      tpu.wait_indirect_dma semaphore(%run_scoped3A_158 : memref<!tpu.dma_semaphore, #tpu.memory_space<semaphore_mem>>) src(%dma_wait3A_172 : memref<80x144xf32, #tpu.memory_space<vmem>>) dst(%dma_wait3A_178 : memref<10240x144xf32, #tpu.memory_space<vmem_shared>>)
      tpu.yield
    }) : () -> ()
    %barrier3A_153 = arith.constant 0 : index
    tpu.barrier barrier_id(%barrier3A_153)
    %mul3A_154 = arith.constant 640 : i32
    %mul3A_155 = arith.muli %arg1, %mul3A_154 : i32
    %mul3A_156 = arith.constant 640 : i32
    %mul3A_157 = arith.muli %arg1, %mul3A_156 : i32
    "tpu.region"() ({
      %run_scoped3A_158 = tpu.sem_alloc : memref<!tpu.dma_semaphore, #tpu.memory_space<semaphore_mem>>
      %dma_start3A_159 = arith.constant 0 : i32
      %dma_start3A_160 = tpu.memref_slice %arg5[%arg0, %mul3A_157, %dma_start3A_159] : memref<2x10240x144xf32, #tpu.memory_space<hbm>> -> memref<1x640x144xf32, #tpu.memory_space<hbm>>
      %dma_start3A_161 = tpu.memref_squeeze %dma_start3A_160 : memref<1x640x144xf32, #tpu.memory_space<hbm>> -> memref<640x144xf32, #tpu.memory_space<hbm>>
      %dma_start3A_162 = arith.constant 0 : i32
      %dma_start3A_163 = tpu.memref_slice %arg6[%mul3A_155, %dma_start3A_162] : memref<10240x144xf32, #tpu.memory_space<vmem_shared>> -> memref<640x144xf32, #tpu.memory_space<vmem_shared>>
      tpu.enqueue_dma source(%dma_start3A_163 : memref<640x144xf32, #tpu.memory_space<vmem_shared>>) target(%dma_start3A_161 : memref<640x144xf32, #tpu.memory_space<hbm>>) target_semaphore(%run_scoped3A_158 : memref<!tpu.dma_semaphore, #tpu.memory_space<semaphore_mem>>)
      %dma_wait3A_164 = arith.constant 0 : i32
      %dma_wait3A_165 = tpu.memref_slice %arg5[%arg0, %mul3A_157, %dma_wait3A_164] : memref<2x10240x144xf32, #tpu.memory_space<hbm>> -> memref<1x640x144xf32, #tpu.memory_space<hbm>>
      %dma_wait3A_166 = tpu.memref_squeeze %dma_wait3A_165 : memref<1x640x144xf32, #tpu.memory_space<hbm>> -> memref<640x144xf32, #tpu.memory_space<hbm>>
      %dma_wait3A_167 = arith.constant 0 : i32
      %dma_wait3A_168 = tpu.memref_slice %arg6[%mul3A_155, %dma_wait3A_167] : memref<10240x144xf32, #tpu.memory_space<vmem_shared>> -> memref<640x144xf32, #tpu.memory_space<vmem_shared>>
      tpu.wait_dma2 semaphore(%run_scoped3A_158 : memref<!tpu.dma_semaphore, #tpu.memory_space<semaphore_mem>>) src(%dma_wait3A_168 : memref<640x144xf32, #tpu.memory_space<vmem_shared>>) dst(%dma_wait3A_166 : memref<640x144xf32, #tpu.memory_space<hbm>>)
      tpu.yield
    }) : () -> ()
    return
  }
}

module attributes {stable_mosaic.version = 14 : i64} {
  func.func @_tc_body(%arg0: i32, %arg1: memref<1000x128xf32, #tpu.memory_space<vmem>>, %arg2: memref<2x1000x144xf32, #tpu.memory_space<vmem>>, %arg3: memref<128x128xf32, #tpu.memory_space<vmem>>, %arg4: memref<128x128xf32, #tpu.memory_space<vmem>>, %arg5: memref<1x128xf32, #tpu.memory_space<vmem>>, %arg6: memref<1000x128xf32, #tpu.memory_space<vmem>>) attributes {dimension_semantics = [#tpu.dimension_semantics<arbitrary>], iteration_bounds = array<i64: 10>, scalar_prefetch = 0 : i64, scratch_operands = 0 : i64, tpu.core_type = #tpu.core_type<tc>, window_params = [{transform_indices = @transform_0, window_bounds = array<i64: 1000, 128>}, {transform_indices = @transform_1, window_bounds = array<i64: 2, 1000, 144>}, {pipeline_mode = #tpu.pipeline_mode<synchronous>, transform_indices = @transform_2, window_bounds = array<i64: 128, 128>}, {pipeline_mode = #tpu.pipeline_mode<synchronous>, transform_indices = @transform_3, window_bounds = array<i64: 128, 128>}, {pipeline_mode = #tpu.pipeline_mode<synchronous>, transform_indices = @transform_4, window_bounds = array<i64: 1, 128>}, {transform_indices = @transform_5, window_bounds = array<i64: 1000, 128>}]} {
    %get3A = arith.constant 0 : index
    %get3A_0 = arith.constant 0 : index
    %get3A_1 = vector.load %arg1[%get3A, %get3A_0] : memref<1000x128xf32, #tpu.memory_space<vmem>>, vector<1000x128xf32>
    %get3A_2 = arith.constant 0 : index
    %get3A_3 = arith.constant 0 : index
    %get3A_4 = arith.constant 0 : index
    %get3A_5 = vector.load %arg2[%get3A_2, %get3A_3, %get3A_4] : memref<2x1000x144xf32, #tpu.memory_space<vmem>>, vector<1x1000x144xf32>
    %get3A_6 = vector.shape_cast %get3A_5 : vector<1x1000x144xf32> to vector<1000x144xf32>
    %get3A_7 = arith.constant 1 : index
    %get3A_8 = arith.constant 0 : index
    %get3A_9 = arith.constant 0 : index
    %get3A_10 = vector.load %arg2[%get3A_7, %get3A_8, %get3A_9] : memref<2x1000x144xf32, #tpu.memory_space<vmem>>, vector<1x1000x144xf32>
    %get3A_11 = vector.shape_cast %get3A_10 : vector<1x1000x144xf32> to vector<1000x144xf32>
    %add3A = arith.addf %get3A_6, %get3A_11 : vector<1000x144xf32>
    %slice3A = vector.extract_strided_slice %add3A {offsets = [0, 0], sizes = [1000, 128], strides = [1, 1]} : vector<1000x144xf32> to vector<1000x128xf32>
    %slice3A_12 = vector.extract_strided_slice %add3A {offsets = [0, 128], sizes = [1000, 1], strides = [1, 1]} : vector<1000x144xf32> to vector<1000x1xf32>
    %add3A_13 = arith.addf %slice3A, %get3A_1 : vector<1000x128xf32>
    %add3A_14 = arith.constant 1.000000e+00 : f32
    %add3A_15 = vector.broadcast %add3A_14 : f32 to vector<1000x1xf32>
    %add3A_16 = arith.addf %slice3A_12, %add3A_15 : vector<1000x1xf32>
    %div3A = vector.broadcast %add3A_16 : vector<1000x1xf32> to vector<1000x128xf32>
    %div3A_17 = arith.divf %add3A_13, %div3A : vector<1000x128xf32>
    %get3A_18 = arith.constant 0 : index
    %get3A_19 = arith.constant 0 : index
    %get3A_20 = vector.load %arg3[%get3A_18, %get3A_19] : memref<128x128xf32, #tpu.memory_space<vmem>>, vector<128x128xf32>
    %dot_general3A = arith.constant dense<0.000000e+00> : vector<1000x128xf32>
    %dot_general3A_21 = tpu.matmul %get3A_1, %get3A_20, %dot_general3A {dimension_numbers = #tpu.dot_dimension_numbers<[1], [0], [0], [1], [0, 0, 1, 1], [], []>, transpose_lhs_hint = false} : vector<1000x128xf32>, vector<128x128xf32>, vector<1000x128xf32> -> vector<1000x128xf32>
    %get3A_22 = arith.constant 0 : index
    %get3A_23 = arith.constant 0 : index
    %get3A_24 = vector.load %arg4[%get3A_22, %get3A_23] : memref<128x128xf32, #tpu.memory_space<vmem>>, vector<128x128xf32>
    %dot_general3A_25 = arith.constant dense<0.000000e+00> : vector<1000x128xf32>
    %dot_general3A_26 = tpu.matmul %div3A_17, %get3A_24, %dot_general3A_25 {dimension_numbers = #tpu.dot_dimension_numbers<[1], [0], [0], [1], [0, 0, 1, 1], [], []>, transpose_lhs_hint = false} : vector<1000x128xf32>, vector<128x128xf32>, vector<1000x128xf32> -> vector<1000x128xf32>
    %add3A_27 = arith.addf %dot_general3A_21, %dot_general3A_26 : vector<1000x128xf32>
    %get3A_28 = arith.constant 0 : index
    %get3A_29 = arith.constant 0 : index
    %get3A_30 = vector.load %arg5[%get3A_28, %get3A_29] : memref<1x128xf32, #tpu.memory_space<vmem>>, vector<1x128xf32>
    %add3A_31 = vector.broadcast %get3A_30 : vector<1x128xf32> to vector<1000x128xf32>
    %add3A_32 = arith.addf %add3A_27, %add3A_31 : vector<1000x128xf32>
    %ge3A = arith.constant 0.000000e+00 : f32
    %ge3A_33 = vector.broadcast %ge3A : f32 to vector<1000x128xf32>
    %ge3A_34 = arith.cmpf oge, %add3A_32, %ge3A_33 : vector<1000x128xf32>
    %mul3A = arith.constant 0.00999999977 : f32
    %mul3A_35 = vector.broadcast %mul3A : f32 to vector<1000x128xf32>
    %mul3A_36 = arith.mulf %mul3A_35, %add3A_32 : vector<1000x128xf32>
    %select_n3A = arith.select %ge3A_34, %add3A_32, %mul3A_36 : vector<1000x128xi1>, vector<1000x128xf32>
    %swap3A = arith.constant 0 : index
    %swap3A_37 = arith.constant 0 : index
    %swap3A_38 = vector.load %arg6[%swap3A, %swap3A_37] : memref<1000x128xf32, #tpu.memory_space<vmem>>, vector<1000x128xf32>
    tpu.vector_store %arg6[%swap3A, %swap3A_37], %select_n3A {strides = array<i32>} : memref<1000x128xf32, #tpu.memory_space<vmem>>, vector<1000x128xf32>,
    return
  }
  func.func @transform_0(%arg0: i32) -> (i32, i32) {
    %c0_i32 = arith.constant 0 : i32
    %c0_i32_0 = arith.constant 0 : i32
    return %arg0, %c0_i32 : i32, i32
  }
  func.func @transform_1(%arg0: i32) -> (i32, i32, i32) {
    %c0_i32 = arith.constant 0 : i32
    %c0_i32_0 = arith.constant 0 : i32
    %c0_i32_1 = arith.constant 0 : i32
    return %c0_i32, %arg0, %c0_i32_0 : i32, i32, i32
  }
  func.func @transform_2(%arg0: i32) -> (i32, i32) {
    %c0_i32 = arith.constant 0 : i32
    %c0_i32_0 = arith.constant 0 : i32
    %c0_i32_1 = arith.constant 0 : i32
    return %c0_i32, %c0_i32_0 : i32, i32
  }
  func.func @transform_3(%arg0: i32) -> (i32, i32) {
    %c0_i32 = arith.constant 0 : i32
    %c0_i32_0 = arith.constant 0 : i32
    %c0_i32_1 = arith.constant 0 : i32
    return %c0_i32, %c0_i32_0 : i32, i32
  }
  func.func @transform_4(%arg0: i32) -> (i32, i32) {
    %c0_i32 = arith.constant 0 : i32
    %c0_i32_0 = arith.constant 0 : i32
    %c0_i32_1 = arith.constant 0 : i32
    return %c0_i32, %c0_i32_0 : i32, i32
  }
  func.func @transform_5(%arg0: i32) -> (i32, i32) {
    %c0_i32 = arith.constant 0 : i32
    %c0_i32_0 = arith.constant 0 : i32
    return %arg0, %c0_i32 : i32, i32
  }
}

</mosaic_0001>

<sc_bundles>
// kernel: kernel.4.cloned.1.call-start
scs
__scs_entry_jumppad:
0x0: {  	(pc) =	sbr.rel $0x88, $3  }
0x1: {  	(tag) =	ssettag $0x0;
	lr =	simm.s32 $0x1  }
0x2: {  	[smem:$0x3F9C] =	sst lr;
	_ =	strace $0xD0000000  }
0x3: {  	_ = 	snop  }
0x4: {  	_ = 	snop  }
0x5: {  	_ = 	snop  }
0x6: {  	_ = 	snop  }
0x7: {  	_ = 	snop  }
__scs_overlays_trampoline_lowered:
0x8: {  	[smem:$0x3FAB] =	sst s0  }
0x9: {  	[smem:$0x3FAC] =	sst s1  }
0xa: {  	[smem:$0x3FAD] =	sst s2  }
0xb: {  	[smem:$0x3FAE] =	sst s3  }
0xc: {  	[smem:$0x3FAF] =	sst s4  }
0xd: {  	[smem:$0x3FB0] =	sst s5  }
0xe: {  	[smem:$0x3FB1] =	sst s6  }
0xf: {  	[smem:$0x3FB2] =	sst s7  }
0x10: {  	[smem:$0x3FB3] =	sst s8  }
0x11: {  	[smem:$0x3FB4] =	sst s9;
	s0 =	simm.s32 @!p0 $0x0  }
0x12: {  	s1 =	sld [smem:$0x3F9A];
	s0 =	simm.s32 @p0 $0x1  }
0x13: {  	[smem:$0x3FB5] =	sst s0;
	s0 =	simm.s32 @!p1 $0x0  }
0x14: {  	s2 =	sld [smem:$0x3F99];
	s0 =	simm.s32 @p1 $0x1  }
0x15: {  	[smem:$0x3FB6] =	sst s0;
	s0 =	simm.s32 @!p2 $0x0  }
0x16: {  	s3 =	sld [smem:$0x3FDB];
	s0 =	simm.s32 @p2 $0x1  }
0x17: {  	s4 =	simm.s32 $0x1BF5;
	[smem:$0x3FB8] =	sst s0  }
0x18: {  	s0 =	sld [smem:$0x3F9B];
	_ =	swait.ge [sflag:s4], $0x0  }
0x19: {  	s7 =	sld [smem:$0x3F9C]  }
0x1a: {  	s8 =	sadd.s32 $0xFFFFE003, lr  }
0x1b: {  	s9 =	sadd.s32 $0xFFFFFEF7, lr;
	s5 =	simm.s32 $0xFFFFFFFF;
	p2 =	slt.u32 s8, $0xFFFFF086  }
0x1c: {  	p1 =	slt.u32 s9, $0xF7A;
	s5 =	simm.s32 @!p2 $0x0  }
0x1d: {  	s5 =	simm.s32 @p1 $0x1;
	p0 =	seq.s32 s7, s2  }
0x1e: {  	s7 =	smul.u32 @!p0 $0xF7A, s2;
	p2 =	seq.s32 @!p0 s5, $0x0  }
0x1f: {  	s9 =	smul.u32 $0xF7A, s1;
	s8 =	simm.s32 @!p0 $0x1BF5;
	p2 =	por !p2, p0  }
0x20: {  	[sflag:s8] =	ssyncset.s32 @!p0 $0xFFFFF086;
	s6 =	sadd.s32 @!p0 s3, s7;
	s7 =	simm.s32 @!p0 $0x108  }
0x21: {  	s3 =	sadd.s32 s3, s9;
	s6 =	sadd.s32 @!p0 $0x88, s6;
	s7 =	simm.s32 @p2 $0x1082  }
0x22: {  	[simem:s7], [sflag:s8] =	dma.local @!p0 [hbm:s6], $0xF7A  }
0x23: {  	s9 =	sor.u32 $0xD0000000, s2;
	s6 =	simm.s32 $0x108;
	_ =	swait.ge @!p0 [sflag:s8], $0x0  }
0x24: {  	s3 =	sadd.s32 $0x88, s3;
	s6 =	simm.s32 @!p1 $0x1082;
	[sflag:s4] =	ssyncset.s32 $0xFFFFF086  }
0x25: {  	[simem:s6], [sflag:s4] =	dma.local [hbm:s3], $0xF7A  }
0x26: {  	[smem:$0x3F9C] =	sst s1;
	(tag) =	ssettag s2;
	_ =	strace s9  }
0x27: {  	s1 =	sld [smem:$0x3FAC]  }
0x28: {  	s2 =	sld [smem:$0x3FAD]  }
0x29: {  	s4 =	sld [smem:$0x3FAF]  }
0x2a: {  	p0 =	seq.s32 s5, $0x0;
	s5 =	sld [smem:$0x3FB0]  }
0x2b: {  	s6 =	sld [smem:$0x3FB1]  }
0x2c: {  	s7 =	sld [smem:$0x3FB2]  }
0x2d: {  	s3 =	simm.s32 $0x108;
	s8 =	sld [smem:$0x3FB3]  }
0x2e: {  	s3 =	simm.s32 @!p0 $0x1082;
	s9 =	sld [smem:$0x3FB4]  }
0x2f: {  	lr =	sadd.s32 s0, s3;
	s0 =	sld [smem:$0x3FAB]  }
0x30: {  	s3 =	sld [smem:$0x3FAE]  }
0x31: {  	[smem:$0x3FB7] =	sst s10  }
0x32: {  	s10 =	sld [smem:$0x3FB5];
	_ =	sdelay $0x3  }
0x33: {  	p0 =	seq.s32 s10, $0x1;
	s10 =	sld [smem:$0x3FB7];
	_ =	sdelay $0x3  }
0x34: {  	[smem:$0x3FB7] =	sst s10  }
0x35: {  	s10 =	sld [smem:$0x3FB6];
	_ =	sdelay $0x3  }
0x36: {  	p1 =	seq.s32 s10, $0x1;
	s10 =	sld [smem:$0x3FB7];
	_ =	sdelay $0x3  }
0x37: {  	[smem:$0x3FB7] =	sst s10  }
0x38: {  	s10 =	sld [smem:$0x3FB8]  }
0x39: {  	_ = 	snop;
	(pc) =	sbr.ind lr, $3  }
0x3a: {  	_ = 	snop  }
0x3b: {  	_ = 	snop  }
0x3c: {  	p2 =	seq.s32 s10, $0x1;
	s10 =	sld [smem:$0x3FB7]  }
0x3d: {  	_ =	shalt  }
0x3e: {  	_ =	shalt  }
0x3f: {  	_ =	shalt  }
0x40: {  	_ =	shalt  }
0x41: {  	_ =	shalt  }
0x42: {  	_ =	shalt  }
0x43: {  	_ =	shalt  }
0x44: {  	_ =	shalt  }
0x45: {  	_ =	shalt  }
0x46: {  	_ =	shalt  }
0x47: {  	_ =	shalt  }
0x48: {  	_ =	shalt  }
0x49: {  	_ =	shalt  }
0x4a: {  	_ =	shalt  }
0x4b: {  	_ =	shalt  }
0x4c: {  	_ =	shalt  }
0x4d: {  	_ =	shalt  }
0x4e: {  	_ =	shalt  }
0x4f: {  	_ =	shalt  }
0x50: {  	_ =	shalt  }
0x51: {  	_ =	shalt  }
0x52: {  	_ =	shalt  }
0x53: {  	_ =	shalt  }
0x54: {  	_ =	shalt  }
0x55: {  	_ =	shalt  }
0x56: {  	_ =	shalt  }
0x57: {  	_ =	shalt  }
0x58: {  	_ =	shalt  }
0x59: {  	_ =	shalt  }
0x5a: {  	_ =	shalt  }
0x5b: {  	_ =	shalt  }
0x5c: {  	_ =	shalt  }
0x5d: {  	_ =	shalt  }
0x5e: {  	_ =	shalt  }
0x5f: {  	_ =	shalt  }
0x60: {  	_ =	shalt  }
0x61: {  	_ =	shalt  }
0x62: {  	_ =	shalt  }
0x63: {  	_ =	shalt  }
0x64: {  	_ =	shalt  }
0x65: {  	_ =	shalt  }
0x66: {  	_ =	shalt  }
0x67: {  	_ =	shalt  }
0x68: {  	_ =	shalt  }
0x69: {  	_ =	shalt  }
0x6a: {  	_ =	shalt  }
0x6b: {  	_ =	shalt  }
0x6c: {  	_ =	shalt  }
0x6d: {  	_ =	shalt  }
0x6e: {  	_ =	shalt  }
0x6f: {  	_ =	shalt  }
0x70: {  	_ =	shalt  }
0x71: {  	_ =	shalt  }
0x72: {  	_ =	shalt  }
0x73: {  	_ =	shalt  }
0x74: {  	_ =	shalt  }
0x75: {  	_ =	shalt  }
0x76: {  	_ =	shalt  }
0x77: {  	_ =	shalt  }
0x78: {  	_ =	shalt  }
0x79: {  	_ =	shalt  }
0x7a: {  	_ =	shalt  }
0x7b: {  	_ =	shalt  }
0x7c: {  	_ =	shalt  }
0x7d: {  	_ =	shalt  }
0x7e: {  	_ =	shalt  }
0x7f: {  	_ =	shalt  }
0x80: {  	_ =	shalt  }
0x81: {  	_ =	shalt  }
0x82: {  	_ =	shalt  }
0x83: {  	_ =	shalt  }
0x84: {  	_ =	shalt  }
0x85: {  	_ =	shalt  }
0x86: {  	_ =	shalt  }
0x87: {  	_ =	shalt  }
.Lfunc_end0:
.L_simem_size_0:
called_computation_lowered:
.L_overlay_start_0:
0x88: {  	s2 =	sld [smem:$0x3FD9]  }
0x89: {  	s3 =	sld [smem:$0x3FFE];
	_ =	sdelay $0x1  }
0x8a: {  	s1 =	srdreg.scid  }
0x8b: {  	s0 =	sand.u32 $0x1, s1  }
0x8c: {  	s17 =	sshll.u32 s0, $0xA;
	s2 =	sadd.s32 s3, s2  }
0x8d: {  	s2 =	sadd.s32 s2, s17  }
0x8e: {  	[smem:$0x3FC3] =	sst s2  }
0x8f: {  	_ = 	snop  }
0x90: {  	s2 =	sld [smem:$0x3FD0];
	(tm) =	ssettm $0x1  }
0x91: {  	s18 =	sld [smem:$0x3FFB];
	_ =	sdelay $0x3  }
0x92: {  	_ =	strace s18  }
0x93: {  	s3 =	sld [smem:$0x3FFC];
	_ =	sdelay $0x3  }
0x94: {  	_ =	strace s3  }
0x95: {  	s3 =	sld [smem:$0x3FFD];
	_ =	sdelay $0x3  }
0x96: {  	_ =	strace s3  }
0x97: {  	_ =	strace $0x8FFFFFFF  }
0x98: {  	s19 =	sld [smem:$0x3FDB];
	_ =	sdelay $0x1  }
0x99: {  	s4 =	simm.s32 $_scs_section_size  }
0x9a: {  	s5 =	simm.s32 $_size__tile_overlayer_lowered;
	s6 =	simm.s32 $_tile_overlayer_lowered  }
0x9b: {  	s22 =	simm.s32 $0x1BFF;
	s21 =	sshll.u32 s6, $0x1;
	s3 =	sadd.s32 s4, s19  }
0x9c: {  	s7 =	simm.s32 $0x0;
	s20 =	sshll.u32 s5, $0x1;
	s5 =	sadd.s32 s21, s3  }
0x9d: {  	[timem:s7], [sflag:s22] =	dma.local [hbm:s5], s20  }
0x9e: {  	_ =	swait.ge [sflag:s22], s20  }
0x9f: {  	s4 =	ssub.s32 $0x0, s20;
	[sflag:s22] =	ssyncset.done $0x0  }
0xa0: {  	[sflag:s22] =	ssyncadd.s32 s4;
	_ =	sdelay $0x1  }
0xa1: {  	s23 =	simm.s32 $0x1B8B  }
0xa2: {  	_ =	swait.ge [sflag:s23], $0x1  }
0xa3: {  	[sflag:s23] =	ssyncset.done $0x0  }
0xa4: {  	s25 =	simm.s32 $0x1B8E;
	s24 =	sld [smem:$0x3FFE];
	[sflag:s23] =	ssyncadd.s32 $0xFFFFFFFF  }
0xa5: {  	s26 =	simm.s32 $execute0_lowered;
	[smem:$0x3FD2] =	sst s25  }
0xa6: {  	s5 =	sshll.u32 s26, $0x1;
	_ =	strace $0x80000046;
	[dreg:$0x1] =	wrdreg $0xFFFFFFFF  }
0xa7: {  	s28 =	simm.s32 $_size_execute0_lowered;
	s3 =	sadd.s32 s3, s5;
	[dreg:$0x0] =	wrdreg $0x0  }
0xa8: {  	s5 =	sshll.u32 s28, $0x1;
	[dreg:$0x2] =	wrdreg s3  }
0xa9: {  	[dreg:$0x3] =	wrdreg s5  }
0xaa: {  	[dreg:$0x4] =	wrdreg $0xC0  }
0xab: {  	_ =	task [dreg:s7], $0x5FFFF  }
0xac: {  	[dreg:$0x1] =	wrdreg $0xFFFFFFFF  }
0xad: {  	[dreg:$0x0] =	wrdreg $0x60  }
0xae: {  	[dreg:$0x2] =	wrdreg s24  }
0xaf: {  	[dreg:$0x3] =	wrdreg s2  }
0xb0: {  	[dreg:$0x4] =	wrdreg $0x0  }
0xb1: {  	[dreg:$0x5] =	wrdreg $0x9  }
0xb2: {  	_ =	task.clear_ibuf [dreg:s7], $0x6FFFF;
	_ =	strace $0x90000046  }
0xb3: {  	s29 =	simm.s32 $0x9;
	_ =	strace $0x80000048  }
0xb4: {  	_ =	swait.ge [sflag:s29], $0x1  }
0xb5: {  	[sflag:s29] =	ssyncadd.s32 $0xFFFFFFFF  }
0xb6: {  	_ =	strace $0x90000048  }
0xb7: {  	_ =	sfence  }
0xb8: {  	s30 =	sld [smem:$0x0];
	_ =	sdelay $0x2  }
0xb9: {  	s31 =	sshll.u32 s1, $0xD;
	s1 =	sshrl.u32 s1, $0x2  }
0xba: {  	s3 =	sand.u32 $0x4000, s31;
	s1 =	sadd.s32 s1, s30  }
0xbb: {  	s0 =	sor.u32 s3, s0;
	s1 =	sshll.u32 s1, $0x11  }
0xbc: {  	s0 =	sor.u32 s1, s0  }
0xbd: {  	s0 =	sadd.s32 $0x8F2B, s0  }
0xbe: {  	[sflag:s0] =	ssyncadd.remote.s32 $0x1  }
0xbf: {  	_ =	sfence.sel $0xFFFF  }
0xc0: {  	[dreg:$0x0] =	wrdreg $0xFFFFFFFF;
	(pc) =	sbr.abs _section_cstart, $3  }
0xc1: {  	[dreg:$0x1] =	wrdreg $0xFFFFFFFF  }
0xc2: {  	_ =	task.clear_ibuf [dreg:s7], $0x2FFFF;
	_ =	strace $0x9FFFFFFF  }
0xc3: {  	(tm) =	ssettm $0x7FFFFFFF  }
tec
execute0_lowered:
.L_overlay_start_1:
0x0: {  	(tag) =	ssettag $0x1  }
0x1: {  	s0 =	rddreg [dreg:$0x0]  }
0x2: {  	s2 =	rddreg [dreg:$0x1]  }
0x3: {  	s3 =	rddreg [dreg:$0x2]  }
0x4: {  	s11 =	stileid.u32;
	s1 =	srdreg.scid;
	s4 =	simm.s32 $0x0  }
0x5: {  	s28 =	simm.s32 $0x16940;
	s29 =	simm.s32 $0x50;
	s30 =	simm.s32 $0x169E0  }
0x6: {  	s31 =	simm.s32 $0x2;
	s6 =	smul.u32 $0x16800, s11;
	s1 =	sand.u32 $0x1, s1  }
0x7: {  	[smem:$0x7FF] =	sst s4;
	s5 =	sadd.s32 $0x1200, s0;
	s15 =	smul.u32 $0x2710, s11  }
0x8: {  	s13 =	sshll.u32 s11, $0x6;
	s7 =	smul.u32 $0x168000, s1;
	_ =	strace $0x80000047  }
0x9: {  	s9 =	sshll.u32 s1, $0x4;
	s10 =	ssub.s32 $0x2, s1;
	s1 =	smul.u32 $0x27100, s1  }
0xa: {  	s8 =	sshrl.u32 s6, $0x3;
	s9 =	sor.u32 s11, s9;
	s26 =	sshrl.u32 s10, $0x1  }
0xb: {  	s11 =	simm.s32 $0x0;
	s8 =	sadd.s32 s8, s0;
	s7 =	sadd.s32 s6, s7  }
0xc: {  	s9 =	smul.u32 $0x2710, s9;
	s10 =	ssub.s32 s10, s26;
	s6 =	sadd.s32 s6, s3  }
0xd: {  	s1 =	sadd.s32 s15, s1;
	s7 =	sshrl.u32 s7, $0x3;
	s12 =	sadd.s32 $0x2D200, s8  }
0xe: {  	s21 =	sadd.s32 $0x190, s1;
	s15 =	smax.u32 s10, $0x1;
	s22 =	sadd.s32 $0x140, s1  }
0xf: {  	s23 =	sadd.s32 $0x4E340, s1;
	s24 =	sadd.s32 $0x4E2F0, s1;
	s10 =	simm.s32 $0x1C3E0  }
0x10: {  	s0 =	sadd.s32 s7, s0;
	[dreg:$0x4] =	wrdreg s12;
	s14 =	sshrl.u32 s9, $0x3  }
0x11: {  	s7 =	sor.u32 $0x1C03, s13;
	s9 =	sadd.s32 $0x4E390, s1;
	s25 =	sshrl.u32 s23, $0x3  }
0x12: {  	s26 =	sshrl.u32 s24, $0x3;
	s12 =	sadd.s32 $0xF0, s1;
	s23 =	simm.s32 $0x3  }
0x13: {  	s24 =	simm.s32 $0x16800;
	s8 =	sadd.s32 s2, s14;
	s0 =	sadd.s32 $0x5A200, s0  }
0x14: {  	s1 =	simm.s32 $0x168A0;
	s16 =	sadd.s32 $0x9C40, s8;
	[dreg:$0xa] =	wrdreg s0  }
0x15: {  	s9 =	sshrl.u32 s9, $0x3;
	s17 =	sadd.s32 $0xA, s8;
	[dreg:$0x5] =	wrdreg s16  }
0x16: {  	s18 =	sadd.s32 $0x9C4A, s8;
	s19 =	sadd.s32 $0x14, s8;
	[dreg:$0x6] =	wrdreg s17  }
0x17: {  	s20 =	sadd.s32 $0x9C54, s8;
	s0 =	sshrl.u32 s21, $0x3;
	[dreg:$0x7] =	wrdreg s18  }
.Ltmp0:
0x18: {  	s21 =	sadd.s32 s26, s2;
	[dreg:$0x8] =	wrdreg s19;
	(pc) =	sbr.rel .LBB2_1-.Ltmp0, $4  }
0x19: {  	s26 =	simm.s32 $0x16850;
	[dreg:$0x9] =	wrdreg s20;
	s16 =	sadd.s32 s0, s2  }
0x1a: {  	s17 =	sadd.s32 s9, s2;
	s0 =	sshrl.u32 s22, $0x3;
	s19 =	sadd.s32 s25, s2  }
0x1b: {  	s22 =	sshrl.u32 s6, $0x3;
	s25 =	simm.s32 $0x168F0;
	s6 =	simm.s32 $0x16990  }
0x1c: {  	s9 =	simm.s32 $0x1;
	s18 =	sadd.s32 s0, s2;
	s0 =	simm.s32 $0x196E0  }
.LBB2_4:
0x1d: {  	_ =	swait.ge [sflag:s9], $0x2D00  }
0x1e: {  	[sflag:s9] =	ssyncset.done $0x0  }
0x1f: {  	[sflag:s9] =	ssyncadd.s32 $0xFFFFD300  }
0x20: {  	[spmem:s3] =	stream.indirect.scatter.add.f32 [tilespmem:s30], [sflag:$0x3], $0x90, s25, s29, $0xb8;
	[tilespmem:$0x1F0E0] =	vst v63  }
0x21: {  	_ =	swait.ge [sflag:s23], $0x2D00  }
0x22: {  	[sflag:s23] =	ssyncset.done $0x0  }
0x23: {  	[sflag:s23] =	ssyncadd.s32 $0xFFFFD300  }
0x24: {  	_ =	swait.ge [sflag:s9], $0x2D00  }
0x25: {  	[sflag:s9] =	ssyncset.done $0x0  }
0x26: {  	[sflag:s9] =	ssyncadd.s32 $0xFFFFD300  }
0x27: {  	[spmem:s3] =	stream.indirect.scatter.add.f32 [tilespmem:s0], [sflag:$0x3], $0x90, s28, s29, $0xb8;
	[tilespmem:$0x1F0E0] =	vst v63  }
0x28: {  	_ =	swait.ge [sflag:s23], $0x2D00  }
0x29: {  	[sflag:s23] =	ssyncset.done $0x0  }
0x2a: {  	s11 =	sadd.s32 $0x1, s11;
	[sflag:s23] =	ssyncadd.s32 $0xFFFFD300  }
0x2b: {  	p0 =	sne.s32 s11, s15;
	[bflag:$0x0] =	sbarrier.arrive $0xFFFF  }
.Ltmp1:
0x2c: {  	s13 =	rddreg [dreg:$0xa];
	(pc) =	sbr.rel @!p0 .LBB2_5-.Ltmp1, $4  }
0x2d: {  	[hbm:s13], [sflag:s7] =	dma.local [spmem:s22], $0x2D00  }
0x2e: {  	_ =	swait.ge [sflag:s23], $0x2D00  }
0x2f: {  	[sflag:s23] =	ssyncset.done $0x0  }
0x30: {  	[sflag:s23] =	ssyncadd.s32 $0xFFFFD300  }
.LBB2_1:
0x31: {  	s13 =	rddreg [dreg:$0x4]  }
0x32: {  	[spmem:s22], [sflag:s7] =	dma.local [hbm:s13], $0x2D00  }
0x33: {  	_ =	swait.ge [sflag:s23], $0x2D00  }
0x34: {  	[sflag:s23] =	ssyncset.done $0x0  }
0x35: {  	[sflag:s23] =	ssyncadd.s32 $0xFFFFD300  }
0x36: {  	[bflag:$0x0] =	sbarrier.arrive $0xFFFF  }
0x37: {  	[tilespmem:s24], [sflag:$0x3] =	stream.linear.gather [hbm4b:s8+s4], $0x50, $0x38;
	[tilespmem:$0x1F0E0] =	vst v63  }
0x38: {  	_ =	swait.ge [sflag:s23], $0x50  }
0x39: {  	[sflag:s23] =	ssyncset.done $0x0  }
0x3a: {  	s20 =	rddreg [dreg:$0x5];
	[sflag:s23] =	ssyncadd.s32 $0xFFFFFFB0  }
0x3b: {  	[tilespmem:s25], [sflag:$0x3] =	stream.linear.gather [hbm4b:s20+s4], $0x50, $0x38;
	[tilespmem:$0x1F0E0] =	vst v63  }
0x3c: {  	_ =	swait.ge [sflag:s23], $0x50  }
0x3d: {  	[sflag:s23] =	ssyncset.done $0x0  }
0x3e: {  	s14 =	rddreg [dreg:$0x6];
	[sflag:s23] =	ssyncadd.s32 $0xFFFFFFB0  }
0x3f: {  	[tilespmem:s26], [sflag:$0x2] =	stream.linear.gather [hbm4b:s14+s4], $0x50, $0x38;
	[tilespmem:$0x1F0E0] =	vst v63  }
0x40: {  	s20 =	rddreg [dreg:$0x7]  }
0x41: {  	[tilespmem:s28], [sflag:$0x2] =	stream.linear.gather [hbm4b:s20+s4], $0x50, $0x38;
	[tilespmem:$0x1F0E0] =	vst v63  }
0x42: {  	_ = 	snop  }
0x43: {  	[tilespmem:s30], [sflag:$0x1] =	stream.indirect.gather [hbm4b:s5+s29], $0x90, s24, s29, $0xb8;
	[tilespmem:$0x1F0E0] =	vst v63  }
0x44: {  	_ =	swait.ge [sflag:s31], $0x50  }
0x45: {  	[sflag:s31] =	ssyncset.done $0x0  }
0x46: {  	[sflag:s31] =	ssyncadd.s32 $0xFFFFFFB0  }
0x47: {  	_ =	swait.ge [sflag:s31], $0x50  }
0x48: {  	[sflag:s31] =	ssyncset.done $0x0  }
0x49: {  	[sflag:s31] =	ssyncadd.s32 $0xFFFFFFB0  }
0x4a: {  	[tilespmem:s0], [sflag:$0x1] =	stream.indirect.gather [hbm4b:s5+s29], $0x90, s26, s29, $0xb8;
	[tilespmem:$0x1F0E0] =	vst v63  }
0x4b: {  	s14 =	rddreg [dreg:$0x8]  }
0x4c: {  	[tilespmem:s1], [sflag:$0x2] =	stream.linear.gather [hbm4b:s14+s4], $0x50, $0x38;
	[tilespmem:$0x1F0E0] =	vst v63  }
0x4d: {  	s20 =	rddreg [dreg:$0x9]  }
0x4e: {  	[tilespmem:s6], [sflag:$0x2] =	stream.linear.gather [hbm4b:s20+s4], $0x50, $0x38;
	[tilespmem:$0x1F0E0] =	vst v63  }
0x4f: {  	s13 =	simm.s32 $0x0;
	s20 =	smov.u32 s12  }
.LBB2_2:
0x50: {  	_ =	swait.ge [sflag:s9], $0x2D00  }
0x51: {  	[sflag:s9] =	ssyncset.done $0x0  }
0x52: {  	[sflag:s9] =	ssyncadd.s32 $0xFFFFD300  }
0x53: {  	_ =	swait.ge [sflag:s31], $0x50  }
0x54: {  	[sflag:s31] =	ssyncset.done $0x0  }
0x55: {  	[sflag:s31] =	ssyncadd.s32 $0xFFFFFFB0  }
0x56: {  	_ =	swait.ge [sflag:s31], $0x50  }
0x57: {  	[sflag:s31] =	ssyncset.done $0x0  }
0x58: {  	[sflag:s31] =	ssyncadd.s32 $0xFFFFFFB0  }
0x59: {  	[tilespmem:s10], [sflag:$0x1] =	stream.indirect.gather [hbm4b:s5+s29], $0x90, s1, s29, $0xb8;
	[tilespmem:$0x1F0E0] =	vst v63  }
0x5a: {  	_ = 	snop  }
0x5b: {  	[spmem:s3] =	stream.indirect.scatter.add.f32 [tilespmem:s30], [sflag:$0x3], $0x90, s25, s29, $0xb8;
	[tilespmem:$0x1F0E0] =	vst v63  }
0x5c: {  	_ =	swait.ge [sflag:s23], $0x2D00  }
0x5d: {  	s14 =	sshrl.u32 s20, $0x3;
	[sflag:s23] =	ssyncset.done $0x0  }
0x5e: {  	s14 =	sadd.s32 s2, s14;
	[sflag:s23] =	ssyncadd.s32 $0xFFFFD300  }
0x5f: {  	[tilespmem:s24], [sflag:$0x2] =	stream.linear.gather [hbm4b:s14+s4], $0x50, $0x38;
	[tilespmem:$0x1F0E0] =	vst v63  }
0x60: {  	s14 =	sadd.s32 s13, s21  }
0x61: {  	[tilespmem:s25], [sflag:$0x2] =	stream.linear.gather [hbm4b:s14+s4], $0x50, $0x38;
	[tilespmem:$0x1F0E0] =	vst v63  }
0x62: {  	_ =	swait.ge [sflag:s9], $0x2D00  }
0x63: {  	[sflag:s9] =	ssyncset.done $0x0  }
0x64: {  	[sflag:s9] =	ssyncadd.s32 $0xFFFFD300  }
0x65: {  	_ =	swait.ge [sflag:s31], $0x50  }
0x66: {  	[sflag:s31] =	ssyncset.done $0x0  }
0x67: {  	[sflag:s31] =	ssyncadd.s32 $0xFFFFFFB0  }
0x68: {  	_ =	swait.ge [sflag:s31], $0x50  }
0x69: {  	[sflag:s31] =	ssyncset.done $0x0  }
0x6a: {  	[sflag:s31] =	ssyncadd.s32 $0xFFFFFFB0  }
0x6b: {  	[tilespmem:s30], [sflag:$0x1] =	stream.indirect.gather [hbm4b:s5+s29], $0x90, s24, s29, $0xb8;
	[tilespmem:$0x1F0E0] =	vst v63  }
0x6c: {  	_ = 	snop  }
0x6d: {  	[spmem:s3] =	stream.indirect.scatter.add.f32 [tilespmem:s0], [sflag:$0x3], $0x90, s28, s29, $0xb8;
	[tilespmem:$0x1F0E0] =	vst v63  }
0x6e: {  	_ =	swait.ge [sflag:s23], $0x2D00  }
0x6f: {  	[sflag:s23] =	ssyncset.done $0x0  }
0x70: {  	s14 =	sadd.s32 s13, s18;
	[sflag:s23] =	ssyncadd.s32 $0xFFFFD300  }
0x71: {  	[tilespmem:s26], [sflag:$0x2] =	stream.linear.gather [hbm4b:s14+s4], $0x50, $0x38;
	[tilespmem:$0x1F0E0] =	vst v63  }
0x72: {  	s14 =	sadd.s32 s13, s19  }
0x73: {  	[tilespmem:s28], [sflag:$0x2] =	stream.linear.gather [hbm4b:s14+s4], $0x50, $0x38;
	[tilespmem:$0x1F0E0] =	vst v63  }
0x74: {  	_ =	swait.ge [sflag:s9], $0x2D00  }
0x75: {  	[sflag:s9] =	ssyncset.done $0x0  }
0x76: {  	[sflag:s9] =	ssyncadd.s32 $0xFFFFD300  }
0x77: {  	_ =	swait.ge [sflag:s31], $0x50  }
0x78: {  	[sflag:s31] =	ssyncset.done $0x0  }
0x79: {  	[sflag:s31] =	ssyncadd.s32 $0xFFFFFFB0  }
0x7a: {  	_ =	swait.ge [sflag:s31], $0x50  }
0x7b: {  	[sflag:s31] =	ssyncset.done $0x0  }
0x7c: {  	p0 =	seq.s32 s13, $0x4B0;
	[sflag:s31] =	ssyncadd.s32 $0xFFFFFFB0  }
0x7d: {  	[tilespmem:s0], [sflag:$0x1] =	stream.indirect.gather [hbm4b:s5+s29], $0x90, s26, s29, $0xb8;
	[tilespmem:$0x1F0E0] =	vst v63  }
.Ltmp2:
0x7e: {  	_ = 	snop;
	(pc) =	sbr.rel @p0 .LBB2_4-.Ltmp2, $4  }
0x7f: {  	[spmem:s3] =	stream.indirect.scatter.add.f32 [tilespmem:s10], [sflag:$0x3], $0x90, s6, s29, $0xb8;
	[tilespmem:$0x1F0E0] =	vst v63  }
0x80: {  	_ =	swait.ge [sflag:s23], $0x2D00  }
0x81: {  	[sflag:s23] =	ssyncset.done $0x0  }
0x82: {  	[sflag:s23] =	ssyncadd.s32 $0xFFFFD300  }
.Ltmp3:
0x83: {  	(pc) =	sbr.rel .LBB2_2-.Ltmp3, $4  }
0x84: {  	s14 =	sadd.s32 s13, s16  }
0x85: {  	[tilespmem:s1], [sflag:$0x2] =	stream.linear.gather [hbm4b:s14+s4], $0x50, $0x38;
	[tilespmem:$0x1F0E0] =	vst v63  }
0x86: {  	s20 =	sadd.s32 $0xF0, s20;
	s14 =	sadd.s32 s13, s17;
	s13 =	sadd.s32 $0x1E, s13  }
0x87: {  	[tilespmem:s6], [sflag:$0x2] =	stream.linear.gather [hbm4b:s14+s4], $0x50, $0x38;
	[tilespmem:$0x1F0E0] =	vst v63  }
.LBB2_5:
0x88: {  	_ =	sfence.sel $0x180000  }
0x89: {  	[bflag:$0x0] =	sbarrier.arrive $0xFFFF  }
0x8a: {  	_ =	strace $0x90000047  }
0x8b: {  	s0 =	stileid.u32;
	[bflag:$0x2] =	sbarrier.arrive $0xFFFF  }
0x8c: {  	p0 =	sne.s32 s0, $0x0;
	s0 =	rddreg [dreg:$0x3]  }
0x8d: {  	s0 =	sadd.s32 @!p0 $0x100000, s0  }
0x8e: {  	[sflag:s0] =	ssyncadd.tile.s32 @!p0 $0x1;
	_ =	shalt  }
.Lfunc_end2:
_tile_overlayer_lowered:
.L_overlay_start_2:
0x8f: {  	(tag) =	ssettag $0x2  }
0x90: {  	s0 =	rddreg [dreg:$0x0];
	s2 =	stileid.u32  }
0x91: {  	s1 =	rddreg [dreg:$0x1];
	p0 =	sne.s32 s2, $0x0  }
0x92: {  	s3 =	rddreg [dreg:$0x2];
	[bflag:$0x3] =	sbarrier.arrive $0xFFFF;
	s2 =	simm.s32 @!p0 $0x1C03  }
0x93: {  	[timem:s3], [sflag:s2] =	dma.local @!p0 [hbm:s0], s1  }
0x94: {  	s0 =	simm.s32 @!p0 $0x3  }
0x95: {  	_ =	swait.ge @!p0 [sflag:s0], s1  }
0x96: {  	s1 =	ssub.s32 @!p0 $0x0, s1;
	[sflag:s0] =	ssyncset.done @!p0 $0x0  }
0x97: {  	[sflag:s0] =	ssyncadd.s32 @!p0 s1  }
0x98: {  	[bflag:$0x3] =	sbarrier.arrive $0xFFFF  }
0x99: {  	_ =	shalt  }

</sc_bundles>
